<compile_context>
chip_gen: v7x
topology: tpu7x:2x2x1
jax: 0.10.2.dev20260603
libtpu: 0.0.44.dev20260713+nightly
codegen_flags: <defaults>
</compile_context>

<pallas_src>
import jax
import jax.numpy as jnp
from jax import lax
from jax.experimental import pallas as pl
from jax.experimental.pallas import tpu as pltpu
from jax.experimental.pallas import tpu_sc as plsc

NODES_NUM = 1000
EMB_SIZE = 128
BATCH = 4096
SEQ = 50

NC, NS = 2, 16
NW = NC * NS
TOTAL = BATCH * SEQ
PER_W = TOTAL // NW
CHUNK = 128
NCHUNK = PER_W // CHUNK
OUT_W = EMB_SIZE + 2
MPC = 4
NPACK = BATCH // MPC
PACK_PER_W = NPACK // NW
PROWS = MPC * SEQ
PMIN = 256


def _sc_gather_body(idx_hbm, table_hbm, emb_hbm, idx_v, rows_v, sem):
    wid = lax.axis_index("s") * NC + lax.axis_index("c")

    @pl.loop(0, NCHUNK)
    def _chunk(g):
        base = wid * PER_W + g * CHUNK
        pltpu.sync_copy(idx_hbm.at[pl.ds(base, CHUNK)], idx_v)
        pltpu.async_copy(table_hbm.at[idx_v], rows_v, sem).wait()
        pltpu.sync_copy(rows_v, emb_hbm.at[pl.ds(base, CHUNK)])


def _sc_pack_body(emb_hbm, ch_hbm, rad_hbm, out_hbm,
                  ch_v, rad_v, rows_v, out_v):
    wid = lax.axis_index("s") * NC + lax.axis_index("c")
    lanes = lax.iota(jnp.int32, 16)
    czero = jnp.zeros((16,), jnp.int32)
    c129 = jnp.full((16,), OUT_W - 1, jnp.int32)

    @pl.loop(0, PACK_PER_W)
    def _chunk(m):
        cid = wid * PACK_PER_W + m
        pltpu.sync_copy(emb_hbm.at[pl.ds(cid * PROWS, PROWS)], rows_v)
        pltpu.sync_copy(ch_hbm.at[pl.ds(cid, 1)], ch_v)
        pltpu.sync_copy(rad_hbm.at[pl.ds(cid, 1)], rad_v)
        for mb in range(MPC):
            lane0 = mb * SEQ
            for i in range(lane0 // 16, (lane0 + SEQ - 1) // 16 + 1):
                rows = lanes + 16 * i - lane0
                rcl = jnp.clip(rows, 0, SEQ - 1)
                inb = (rows >= 0) & (rows < SEQ)
                full = bool((16 * i >= lane0) and (16 * i + 16 <= lane0 + SEQ))
                mask = None if full else inb
                ch = ch_v[0, pl.ds(i * 16, 16)]
                rd = rad_v[0, pl.ds(i * 16, 16)]
                plsc.store_scatter(out_v, [rcl, czero], ch, mask=mask)
                plsc.store_scatter(out_v, [rcl, c129], rd, mask=mask)

            @pl.loop(0, SEQ)
            def _row(r):
                rvec = czero + r
                gvec = czero + (lane0 + r)
                for j in range(EMB_SIZE // 16):
                    v = plsc.load_gather(rows_v, [gvec, lanes + j * 16])
                    plsc.store_scatter(
                        out_v, [rvec, lanes + (j * 16 + 1)], v)

            pltpu.sync_copy(out_v, out_hbm.at[cid * MPC + mb])


@jax.jit
def kernel(inputs, emb_table):
    idx = inputs[..., 0].astype(jnp.int32).reshape(TOTAL)
    pad = ((0, 0), (0, PMIN - PROWS))
    ch = jnp.pad(inputs[..., 1].reshape(NPACK, PROWS), pad)
    rad = jnp.pad(inputs[..., 2].reshape(NPACK, PROWS), pad)
    mesh = plsc.VectorSubcoreMesh(core_axis_name="c", subcore_axis_name="s")

    emb = pl.kernel(
        _sc_gather_body,
        out_type=jax.ShapeDtypeStruct((TOTAL, EMB_SIZE), jnp.float32),
        mesh=mesh,
        scratch_types=[
            pltpu.VMEM((CHUNK,), jnp.int32),
            pltpu.VMEM((CHUNK, EMB_SIZE), jnp.float32),
            pltpu.SemaphoreType.DMA,
        ],
        compiler_params=pltpu.CompilerParams(
            use_tc_tiling_on_sc=False, needs_layout_passes=False),
    )(idx, emb_table)

    return pl.kernel(
        _sc_pack_body,
        out_type=jax.ShapeDtypeStruct((BATCH, SEQ, OUT_W), jnp.float32),
        mesh=mesh,
        scratch_types=[
            pltpu.VMEM((1, PMIN), jnp.float32),
            pltpu.VMEM((1, PMIN), jnp.float32),
            pltpu.VMEM((PROWS, EMB_SIZE), jnp.float32),
            pltpu.VMEM((SEQ, OUT_W), jnp.float32),
        ],
        compiler_params=pltpu.CompilerParams(
            use_tc_tiling_on_sc=True, needs_layout_passes=False),
    )(emb, ch, rad)

# --- scband reference (transcript-rebuilt; emitter-appended) ---
"""Pipeline reference for scband-atom-emb-33036888441281 (READ-ONLY COPY).

The authoritative reference and input builder live on the scoring server;
editing this copy changes nothing except your own understanding.
"""

import jax, jax.numpy as jnp
import numpy as np

NODES_NUM = 1000
EMB_SIZE = 128
BATCH = 4096
SEQ = 50

def setup_inputs(seed: int = 0) -> dict:
    key = jax.random.key(seed)
    k1, k2 = jax.random.split(key)
    # inputs last dim = 3: [atomic_number, charge, is_radical], stored as float32
    atomic_number = jax.random.randint(k1, (BATCH, SEQ, 1), 0, NODES_NUM).astype(jnp.float32)
    k2a, k2b = jax.random.split(k2)
    charge = jax.random.normal(k2a, (BATCH, SEQ, 1), dtype=jnp.float32)
    is_radical = jax.random.normal(k2b, (BATCH, SEQ, 1), dtype=jnp.float32)
    inputs = jnp.concatenate([atomic_number, charge, is_radical], axis=-1)
    # learned embedding table (Keras Embedding weight), uniform init like Keras default
    k3 = jax.random.fold_in(key, 7)
    emb_table = jax.random.uniform(k3, (NODES_NUM, EMB_SIZE), minval=-0.05, maxval=0.05, dtype=jnp.float32)
    return {"inputs": inputs, "emb_table": emb_table}

def reference(inputs, emb_table):
    # tf.split(inputs, 3, axis=-1) -> three [..., 1] tensors
    atomic_number = inputs[..., 0:1]
    charge = inputs[..., 1:2]
    is_radical = inputs[..., 2:3]
    # Keras Embedding casts float indices to int; output [B, S, 1, emb]
    idx = atomic_number.astype(jnp.int32)
    atomic_emb_full = jnp.take(emb_table, idx, axis=0)  # [B, S, 1, emb]
    # K.squeeze(..., axis=-2) -> [B, S, emb]
    atomic_emb = jnp.squeeze(atomic_emb_full, axis=-2)
    # Concatenate([charge, atomic_emb, is_radical], axis=-1) -> [B, S, emb+2]
    return jnp.concatenate([charge, atomic_emb, is_radical], axis=-1)

if __name__ == "__main__":
    import jax
    _d = setup_inputs()
    print(jax.jit(kernel)(*tuple(_d.values())))

</pallas_src>

<mosaic_0001>
#map = affine_map<(d0, d1) -> (0)>
#map1 = affine_map<(d0, d1) -> (0, 0)>
module attributes {stable_mosaic.version = 14 : i64} {
  func.func @_sc_gather_body(%arg0: i32, %arg1: i32, %arg2: memref<204800xi32, #tpu.memory_space<hbm>>, %arg3: memref<1000x128xf32, #tpu.memory_space<hbm>>, %arg4: memref<204800x128xf32, #tpu.memory_space<hbm>>, %arg5: memref<128xi32, #tpu.memory_space<vmem>>, %arg6: memref<128x128xf32, #tpu.memory_space<vmem>>, %arg7: memref<!tpu.dma_semaphore, #tpu.memory_space<semaphore_mem>>) attributes {dimension_semantics = [#tpu.dimension_semantics<core_parallel>, #tpu.dimension_semantics<subcore_parallel>], iteration_bounds = array<i64: 2, 16>, scalar_prefetch = 0 : i64, scratch_operands = 3 : i64, tpu.core_type = #tpu.core_type<sc_vector_subcore>, window_params = [{transform_indices = #map}, {transform_indices = #map1}, {transform_indices = #map1}]} {
    %mul3A = arith.constant 2 : i32
    %mul3A_0 = arith.muli %arg1, %mul3A : i32
    %add3A = arith.addi %mul3A_0, %arg0 : i32
    %scan3A = arith.constant 0 : i32
    %scan3A_1 = arith.constant 50 : i32
    %scan3A_2 = arith.addi %scan3A, %scan3A_1 : i32
    %scan3A_3 = arith.constant 1 : i32
    scf.for %scan3A_5 = %scan3A to %scan3A_2 step %scan3A_3  : i32 {
      %mul3A_6 = arith.constant 1 : i32
      %mul3A_7 = arith.muli %scan3A_5, %mul3A_6 : i32
      %add3A_8 = arith.constant 0 : i32
      %add3A_9 = arith.addi %add3A_8, %mul3A_7 : i32
      %mul3A_10 = arith.constant 6400 : i32
      %mul3A_11 = arith.muli %add3A, %mul3A_10 : i32
      %mul3A_12 = arith.constant 128 : i32
      %mul3A_13 = arith.muli %add3A_9, %mul3A_12 : i32
      %add3A_14 = arith.addi %mul3A_11, %mul3A_13 : i32
      "tpu.region"() ({
        %run_scoped3A = tpu.sem_alloc : memref<!tpu.dma_semaphore, #tpu.memory_space<semaphore_mem>>
        %dma_start3A_19 = tpu.memref_slice %arg2[%add3A_14] : memref<204800xi32, #tpu.memory_space<hbm>> -> memref<128xi32, #tpu.memory_space<hbm>>
        %dma_start3A_20 = tpu.memref_slice %arg2[%add3A_14] : memref<204800xi32, #tpu.memory_space<hbm>> -> memref<128xi32, #tpu.memory_space<hbm>>
        tpu.enqueue_dma source(%dma_start3A_20 : memref<128xi32, #tpu.memory_space<hbm>>) target(%arg5 : memref<128xi32, #tpu.memory_space<vmem>>) target_semaphore(%run_scoped3A : memref<!tpu.dma_semaphore, #tpu.memory_space<semaphore_mem>>)
        %dma_wait3A_21 = tpu.memref_slice %arg2[%add3A_14] : memref<204800xi32, #tpu.memory_space<hbm>> -> memref<128xi32, #tpu.memory_space<hbm>>
        %dma_wait3A_22 = tpu.memref_slice %arg2[%add3A_14] : memref<204800xi32, #tpu.memory_space<hbm>> -> memref<128xi32, #tpu.memory_space<hbm>>
        tpu.wait_dma2 semaphore(%run_scoped3A : memref<!tpu.dma_semaphore, #tpu.memory_space<semaphore_mem>>) src(%dma_wait3A_22 : memref<128xi32, #tpu.memory_space<hbm>>) dst(%arg5 : memref<128xi32, #tpu.memory_space<vmem>>)
        tpu.yield
      }) : () -> ()
      %dma_start3A = arith.constant 0 : i32
      %dma_start3A_15 = arith.constant 0 : i32
      %dma_start3A_16 = tpu.memref_slice %arg3[%dma_start3A, %dma_start3A_15] : memref<1000x128xf32, #tpu.memory_space<hbm>> -> memref<1000x128xf32, #tpu.memory_space<hbm>>
      tpu.enqueue_indirect_dma source(%dma_start3A_16 : memref<1000x128xf32, #tpu.memory_space<hbm>>) target(%arg6 : memref<128x128xf32, #tpu.memory_space<vmem>>) offsets(%arg5 : memref<128xi32, #tpu.memory_space<vmem>>) semaphore(%arg7 : memref<!tpu.dma_semaphore, #tpu.memory_space<semaphore_mem>>)
      %dma_wait3A = arith.constant 0 : i32
      %dma_wait3A_17 = arith.constant 0 : i32
      %dma_wait3A_18 = tpu.memref_slice %arg3[%dma_wait3A, %dma_wait3A_17] : memref<1000x128xf32, #tpu.memory_space<hbm>> -> memref<1000x128xf32, #tpu.memory_space<hbm>>
      tpu.wait_indirect_dma semaphore(%arg7 : memref<!tpu.dma_semaphore, #tpu.memory_space<semaphore_mem>>) src(%dma_wait3A_18 : memref<1000x128xf32, #tpu.memory_space<hbm>>) dst(%arg6 : memref<128x128xf32, #tpu.memory_space<vmem>>)
      "tpu.region"() ({
        %run_scoped3A = tpu.sem_alloc : memref<!tpu.dma_semaphore, #tpu.memory_space<semaphore_mem>>
        %dma_start3A_19 = arith.constant 0 : i32
        %dma_start3A_20 = tpu.memref_slice %arg4[%add3A_14, %dma_start3A_19] : memref<204800x128xf32, #tpu.memory_space<hbm>> -> memref<128x128xf32, #tpu.memory_space<hbm>>
        %dma_start3A_21 = arith.constant 0 : i32
        %dma_start3A_22 = tpu.memref_slice %arg4[%add3A_14, %dma_start3A_21] : memref<204800x128xf32, #tpu.memory_space<hbm>> -> memref<128x128xf32, #tpu.memory_space<hbm>>
        tpu.enqueue_dma source(%arg6 : memref<128x128xf32, #tpu.memory_space<vmem>>) target(%dma_start3A_22 : memref<128x128xf32, #tpu.memory_space<hbm>>) target_semaphore(%run_scoped3A : memref<!tpu.dma_semaphore, #tpu.memory_space<semaphore_mem>>)
        %dma_wait3A_23 = arith.constant 0 : i32
        %dma_wait3A_24 = tpu.memref_slice %arg4[%add3A_14, %dma_wait3A_23] : memref<204800x128xf32, #tpu.memory_space<hbm>> -> memref<128x128xf32, #tpu.memory_space<hbm>>
        %dma_wait3A_25 = arith.constant 0 : i32
        %dma_wait3A_26 = tpu.memref_slice %arg4[%add3A_14, %dma_wait3A_25] : memref<204800x128xf32, #tpu.memory_space<hbm>> -> memref<128x128xf32, #tpu.memory_space<hbm>>
        tpu.wait_dma2 semaphore(%run_scoped3A : memref<!tpu.dma_semaphore, #tpu.memory_space<semaphore_mem>>) src(%arg6 : memref<128x128xf32, #tpu.memory_space<vmem>>) dst(%dma_wait3A_26 : memref<128x128xf32, #tpu.memory_space<hbm>>)
        tpu.yield
      }) : () -> ()
    }
    %scan3A_4 = arith.constant 50 : i32
    return
  }
}

#map = affine_map<(d0, d1) -> (0, 0)>
#map1 = affine_map<(d0, d1) -> (0, 0, 0)>
module attributes {stable_mosaic.version = 14 : i64} {
  func.func @_sc_pack_body(%arg0: i32, %arg1: i32, %arg2: memref<204800x128xf32, #tpu.memory_space<hbm>>, %arg3: memref<1024x256xf32, #tpu.memory_space<hbm>>, %arg4: memref<1024x256xf32, #tpu.memory_space<hbm>>, %arg5: memref<4096x50x130xf32, #tpu.memory_space<hbm>>, %arg6: memref<1x256xf32, #tpu.memory_space<vmem>>, %arg7: memref<1x256xf32, #tpu.memory_space<vmem>>, %arg8: memref<200x128xf32, #tpu.memory_space<vmem>>, %arg9: memref<50x130xf32, #tpu.memory_space<vmem>>) attributes {dimension_semantics = [#tpu.dimension_semantics<core_parallel>, #tpu.dimension_semantics<subcore_parallel>], iteration_bounds = array<i64: 2, 16>, scalar_prefetch = 0 : i64, scratch_operands = 4 : i64, tpu.core_type = #tpu.core_type<sc_vector_subcore>, window_params = [{transform_indices = #map}, {transform_indices = #map}, {transform_indices = #map}, {transform_indices = #map1}]} {
    %mul3A = arith.constant 2 : i32
    %mul3A_0 = arith.muli %arg1, %mul3A : i32
    %add3A = arith.addi %mul3A_0, %arg0 : i32
    %iota3A = tpu.iota {dimensions = array<i32: 0>} : vector<16xi32>
    %broadcast_in_dim3A = arith.constant 0 : i32
    %broadcast_in_dim3A_1 = vector.broadcast %broadcast_in_dim3A : i32 to vector<16xi32>
    %broadcast_in_dim3A_2 = arith.constant 129 : i32
    %broadcast_in_dim3A_3 = vector.broadcast %broadcast_in_dim3A_2 : i32 to vector<16xi32>
    %scan3A = arith.constant 0 : i32
    %scan3A_4 = arith.constant 32 : i32
    %scan3A_5 = arith.addi %scan3A, %scan3A_4 : i32
    %scan3A_6 = arith.constant 1 : i32
    scf.for %scan3A_8 = %scan3A to %scan3A_5 step %scan3A_6  : i32 {
      %mul3A_9 = arith.constant 1 : i32
      %mul3A_10 = arith.muli %scan3A_8, %mul3A_9 : i32
      %add3A_11 = arith.constant 0 : i32
      %add3A_12 = arith.addi %add3A_11, %mul3A_10 : i32
      %mul3A_13 = arith.constant 32 : i32
      %mul3A_14 = arith.muli %add3A, %mul3A_13 : i32
      %add3A_15 = arith.addi %mul3A_14, %add3A_12 : i32
      %mul3A_16 = arith.constant 200 : i32
      %mul3A_17 = arith.muli %add3A_15, %mul3A_16 : i32
      "tpu.region"() ({
        %run_scoped3A = tpu.sem_alloc : memref<!tpu.dma_semaphore, #tpu.memory_space<semaphore_mem>>
        %dma_start3A = arith.constant 0 : i32
        %dma_start3A_478 = tpu.memref_slice %arg2[%mul3A_17, %dma_start3A] : memref<204800x128xf32, #tpu.memory_space<hbm>> -> memref<200x128xf32, #tpu.memory_space<hbm>>
        %dma_start3A_479 = arith.constant 0 : i32
        %dma_start3A_480 = tpu.memref_slice %arg2[%mul3A_17, %dma_start3A_479] : memref<204800x128xf32, #tpu.memory_space<hbm>> -> memref<200x128xf32, #tpu.memory_space<hbm>>
        tpu.enqueue_dma source(%dma_start3A_480 : memref<200x128xf32, #tpu.memory_space<hbm>>) target(%arg8 : memref<200x128xf32, #tpu.memory_space<vmem>>) target_semaphore(%run_scoped3A : memref<!tpu.dma_semaphore, #tpu.memory_space<semaphore_mem>>)
        %dma_wait3A = arith.constant 0 : i32
        %dma_wait3A_481 = tpu.memref_slice %arg2[%mul3A_17, %dma_wait3A] : memref<204800x128xf32, #tpu.memory_space<hbm>> -> memref<200x128xf32, #tpu.memory_space<hbm>>
        %dma_wait3A_482 = arith.constant 0 : i32
        %dma_wait3A_483 = tpu.memref_slice %arg2[%mul3A_17, %dma_wait3A_482] : memref<204800x128xf32, #tpu.memory_space<hbm>> -> memref<200x128xf32, #tpu.memory_space<hbm>>
        tpu.wait_dma2 semaphore(%run_scoped3A : memref<!tpu.dma_semaphore, #tpu.memory_space<semaphore_mem>>) src(%dma_wait3A_483 : memref<200x128xf32, #tpu.memory_space<hbm>>) dst(%arg8 : memref<200x128xf32, #tpu.memory_space<vmem>>)
        tpu.yield
      }) : () -> ()
      "tpu.region"() ({
        %run_scoped3A = tpu.sem_alloc : memref<!tpu.dma_semaphore, #tpu.memory_space<semaphore_mem>>
        %dma_start3A = arith.constant 0 : i32
        %dma_start3A_478 = tpu.memref_slice %arg3[%add3A_15, %dma_start3A] : memref<1024x256xf32, #tpu.memory_space<hbm>> -> memref<1x256xf32, #tpu.memory_space<hbm>>
        %dma_start3A_479 = arith.constant 0 : i32
        %dma_start3A_480 = tpu.memref_slice %arg3[%add3A_15, %dma_start3A_479] : memref<1024x256xf32, #tpu.memory_space<hbm>> -> memref<1x256xf32, #tpu.memory_space<hbm>>
        tpu.enqueue_dma source(%dma_start3A_480 : memref<1x256xf32, #tpu.memory_space<hbm>>) target(%arg6 : memref<1x256xf32, #tpu.memory_space<vmem>>) target_semaphore(%run_scoped3A : memref<!tpu.dma_semaphore, #tpu.memory_space<semaphore_mem>>)
        %dma_wait3A = arith.constant 0 : i32
        %dma_wait3A_481 = tpu.memref_slice %arg3[%add3A_15, %dma_wait3A] : memref<1024x256xf32, #tpu.memory_space<hbm>> -> memref<1x256xf32, #tpu.memory_space<hbm>>
        %dma_wait3A_482 = arith.constant 0 : i32
        %dma_wait3A_483 = tpu.memref_slice %arg3[%add3A_15, %dma_wait3A_482] : memref<1024x256xf32, #tpu.memory_space<hbm>> -> memref<1x256xf32, #tpu.memory_space<hbm>>
        tpu.wait_dma2 semaphore(%run_scoped3A : memref<!tpu.dma_semaphore, #tpu.memory_space<semaphore_mem>>) src(%dma_wait3A_483 : memref<1x256xf32, #tpu.memory_space<hbm>>) dst(%arg6 : memref<1x256xf32, #tpu.memory_space<vmem>>)
        tpu.yield
      }) : () -> ()
      "tpu.region"() ({
        %run_scoped3A = tpu.sem_alloc : memref<!tpu.dma_semaphore, #tpu.memory_space<semaphore_mem>>
        %dma_start3A = arith.constant 0 : i32
        %dma_start3A_478 = tpu.memref_slice %arg4[%add3A_15, %dma_start3A] : memref<1024x256xf32, #tpu.memory_space<hbm>> -> memref<1x256xf32, #tpu.memory_space<hbm>>
        %dma_start3A_479 = arith.constant 0 : i32
        %dma_start3A_480 = tpu.memref_slice %arg4[%add3A_15, %dma_start3A_479] : memref<1024x256xf32, #tpu.memory_space<hbm>> -> memref<1x256xf32, #tpu.memory_space<hbm>>
        tpu.enqueue_dma source(%dma_start3A_480 : memref<1x256xf32, #tpu.memory_space<hbm>>) target(%arg7 : memref<1x256xf32, #tpu.memory_space<vmem>>) target_semaphore(%run_scoped3A : memref<!tpu.dma_semaphore, #tpu.memory_space<semaphore_mem>>)
        %dma_wait3A = arith.constant 0 : i32
        %dma_wait3A_481 = tpu.memref_slice %arg4[%add3A_15, %dma_wait3A] : memref<1024x256xf32, #tpu.memory_space<hbm>> -> memref<1x256xf32, #tpu.memory_space<hbm>>
        %dma_wait3A_482 = arith.constant 0 : i32
        %dma_wait3A_483 = tpu.memref_slice %arg4[%add3A_15, %dma_wait3A_482] : memref<1024x256xf32, #tpu.memory_space<hbm>> -> memref<1x256xf32, #tpu.memory_space<hbm>>
        tpu.wait_dma2 semaphore(%run_scoped3A : memref<!tpu.dma_semaphore, #tpu.memory_space<semaphore_mem>>) src(%dma_wait3A_483 : memref<1x256xf32, #tpu.memory_space<hbm>>) dst(%arg7 : memref<1x256xf32, #tpu.memory_space<vmem>>)
        tpu.yield
      }) : () -> ()
      %add3A_18 = arith.constant 0 : i32
      %add3A_19 = vector.broadcast %add3A_18 : i32 to vector<16xi32>
      %add3A_20 = arith.addi %iota3A, %add3A_19 : vector<16xi32>
      %sub3A = arith.constant 0 : i32
      %sub3A_21 = vector.broadcast %sub3A : i32 to vector<16xi32>
      %sub3A_22 = arith.subi %add3A_20, %sub3A_21 : vector<16xi32>
      %jit3A = arith.constant 0 : i32
      %jit3A_23 = arith.constant 49 : i32
      %max3A = vector.broadcast %jit3A : i32 to vector<16xi32>
      %max3A_24 = arith.maxsi %max3A, %sub3A_22 : vector<16xi32>
      %min3A = vector.broadcast %jit3A_23 : i32 to vector<16xi32>
      %min3A_25 = arith.minsi %min3A, %max3A_24 : vector<16xi32>
      %ge3A = arith.constant 0 : i32
      %ge3A_26 = vector.broadcast %ge3A : i32 to vector<16xi32>
      %ge3A_27 = arith.cmpi sge, %sub3A_22, %ge3A_26 : vector<16xi32>
      %lt3A = arith.constant 50 : i32
      %lt3A_28 = vector.broadcast %lt3A : i32 to vector<16xi32>
      %lt3A_29 = arith.cmpi slt, %sub3A_22, %lt3A_28 : vector<16xi32>
      %and3A = arith.andi %ge3A_27, %lt3A_29 : vector<16xi1>
      %get3A = arith.constant 0 : i32
      %get3A_30 = arith.index_cast %get3A : i32 to index
      %get3A_31 = arith.constant 0 : index
      %get3A_32 = tpu.vector_load %arg6[%get3A_30, %get3A_31] {strides = array<i32>} : memref<1x256xf32, #tpu.memory_space<vmem>>, vector<16xf32>,
      %get3A_33 = arith.constant 0 : i32
      %get3A_34 = arith.index_cast %get3A_33 : i32 to index
      %get3A_35 = arith.constant 0 : index
      %get3A_36 = tpu.vector_load %arg7[%get3A_34, %get3A_35] {strides = array<i32>} : memref<1x256xf32, #tpu.memory_space<vmem>>, vector<16xf32>,
      tpu.vector_store_idx %arg9[%min3A_25, %broadcast_in_dim3A_1], %get3A_32 : memref<50x130xf32, #tpu.memory_space<vmem>>[vector<16xi32>, vector<16xi32>], vector<16xf32>,
      tpu.vector_store_idx %arg9[%min3A_25, %broadcast_in_dim3A_3], %get3A_36 : memref<50x130xf32, #tpu.memory_space<vmem>>[vector<16xi32>, vector<16xi32>], vector<16xf32>,
      %add3A_37 = arith.constant 16 : i32
      %add3A_38 = vector.broadcast %add3A_37 : i32 to vector<16xi32>
      %add3A_39 = arith.addi %iota3A, %add3A_38 : vector<16xi32>
      %sub3A_40 = arith.constant 0 : i32
      %sub3A_41 = vector.broadcast %sub3A_40 : i32 to vector<16xi32>
      %sub3A_42 = arith.subi %add3A_39, %sub3A_41 : vector<16xi32>
      %jit3A_43 = arith.constant 0 : i32
      %jit3A_44 = arith.constant 49 : i32
      %max3A_45 = vector.broadcast %jit3A_43 : i32 to vector<16xi32>
      %max3A_46 = arith.maxsi %max3A_45, %sub3A_42 : vector<16xi32>
      %min3A_47 = vector.broadcast %jit3A_44 : i32 to vector<16xi32>
      %min3A_48 = arith.minsi %min3A_47, %max3A_46 : vector<16xi32>
      %ge3A_49 = arith.constant 0 : i32
      %ge3A_50 = vector.broadcast %ge3A_49 : i32 to vector<16xi32>
      %ge3A_51 = arith.cmpi sge, %sub3A_42, %ge3A_50 : vector<16xi32>
      %lt3A_52 = arith.constant 50 : i32
      %lt3A_53 = vector.broadcast %lt3A_52 : i32 to vector<16xi32>
      %lt3A_54 = arith.cmpi slt, %sub3A_42, %lt3A_53 : vector<16xi32>
      %and3A_55 = arith.andi %ge3A_51, %lt3A_54 : vector<16xi1>
      %get3A_56 = arith.constant 0 : i32
      %get3A_57 = arith.index_cast %get3A_56 : i32 to index
      %get3A_58 = arith.constant 16 : index
      %get3A_59 = tpu.vector_load %arg6[%get3A_57, %get3A_58] {strides = array<i32>} : memref<1x256xf32, #tpu.memory_space<vmem>>, vector<16xf32>,
      %get3A_60 = arith.constant 0 : i32
      %get3A_61 = arith.index_cast %get3A_60 : i32 to index
      %get3A_62 = arith.constant 16 : index
      %get3A_63 = tpu.vector_load %arg7[%get3A_61, %get3A_62] {strides = array<i32>} : memref<1x256xf32, #tpu.memory_space<vmem>>, vector<16xf32>,
      tpu.vector_store_idx %arg9[%min3A_48, %broadcast_in_dim3A_1], %get3A_59 : memref<50x130xf32, #tpu.memory_space<vmem>>[vector<16xi32>, vector<16xi32>], vector<16xf32>,
      tpu.vector_store_idx %arg9[%min3A_48, %broadcast_in_dim3A_3], %get3A_63 : memref<50x130xf32, #tpu.memory_space<vmem>>[vector<16xi32>, vector<16xi32>], vector<16xf32>,
      %add3A_64 = arith.constant 32 : i32
      %add3A_65 = vector.broadcast %add3A_64 : i32 to vector<16xi32>
      %add3A_66 = arith.addi %iota3A, %add3A_65 : vector<16xi32>
      %sub3A_67 = arith.constant 0 : i32
      %sub3A_68 = vector.broadcast %sub3A_67 : i32 to vector<16xi32>
      %sub3A_69 = arith.subi %add3A_66, %sub3A_68 : vector<16xi32>
      %jit3A_70 = arith.constant 0 : i32
      %jit3A_71 = arith.constant 49 : i32
      %max3A_72 = vector.broadcast %jit3A_70 : i32 to vector<16xi32>
      %max3A_73 = arith.maxsi %max3A_72, %sub3A_69 : vector<16xi32>
      %min3A_74 = vector.broadcast %jit3A_71 : i32 to vector<16xi32>
      %min3A_75 = arith.minsi %min3A_74, %max3A_73 : vector<16xi32>
      %ge3A_76 = arith.constant 0 : i32
      %ge3A_77 = vector.broadcast %ge3A_76 : i32 to vector<16xi32>
      %ge3A_78 = arith.cmpi sge, %sub3A_69, %ge3A_77 : vector<16xi32>
      %lt3A_79 = arith.constant 50 : i32
      %lt3A_80 = vector.broadcast %lt3A_79 : i32 to vector<16xi32>
      %lt3A_81 = arith.cmpi slt, %sub3A_69, %lt3A_80 : vector<16xi32>
      %and3A_82 = arith.andi %ge3A_78, %lt3A_81 : vector<16xi1>
      %get3A_83 = arith.constant 0 : i32
      %get3A_84 = arith.index_cast %get3A_83 : i32 to index
      %get3A_85 = arith.constant 32 : index
      %get3A_86 = tpu.vector_load %arg6[%get3A_84, %get3A_85] {strides = array<i32>} : memref<1x256xf32, #tpu.memory_space<vmem>>, vector<16xf32>,
      %get3A_87 = arith.constant 0 : i32
      %get3A_88 = arith.index_cast %get3A_87 : i32 to index
      %get3A_89 = arith.constant 32 : index
      %get3A_90 = tpu.vector_load %arg7[%get3A_88, %get3A_89] {strides = array<i32>} : memref<1x256xf32, #tpu.memory_space<vmem>>, vector<16xf32>,
      tpu.vector_store_idx %arg9[%min3A_75, %broadcast_in_dim3A_1], %get3A_86 : memref<50x130xf32, #tpu.memory_space<vmem>>[vector<16xi32>, vector<16xi32>], vector<16xf32>,
      tpu.vector_store_idx %arg9[%min3A_75, %broadcast_in_dim3A_3], %get3A_90 : memref<50x130xf32, #tpu.memory_space<vmem>>[vector<16xi32>, vector<16xi32>], vector<16xf32>,
      %add3A_91 = arith.constant 48 : i32
      %add3A_92 = vector.broadcast %add3A_91 : i32 to vector<16xi32>
      %add3A_93 = arith.addi %iota3A, %add3A_92 : vector<16xi32>
      %sub3A_94 = arith.constant 0 : i32
      %sub3A_95 = vector.broadcast %sub3A_94 : i32 to vector<16xi32>
      %sub3A_96 = arith.subi %add3A_93, %sub3A_95 : vector<16xi32>
      %jit3A_97 = arith.constant 0 : i32
      %jit3A_98 = arith.constant 49 : i32
      %max3A_99 = vector.broadcast %jit3A_97 : i32 to vector<16xi32>
      %max3A_100 = arith.maxsi %max3A_99, %sub3A_96 : vector<16xi32>
      %min3A_101 = vector.broadcast %jit3A_98 : i32 to vector<16xi32>
      %min3A_102 = arith.minsi %min3A_101, %max3A_100 : vector<16xi32>
      %ge3A_103 = arith.constant 0 : i32
      %ge3A_104 = vector.broadcast %ge3A_103 : i32 to vector<16xi32>
      %ge3A_105 = arith.cmpi sge, %sub3A_96, %ge3A_104 : vector<16xi32>
      %lt3A_106 = arith.constant 50 : i32
      %lt3A_107 = vector.broadcast %lt3A_106 : i32 to vector<16xi32>
      %lt3A_108 = arith.cmpi slt, %sub3A_96, %lt3A_107 : vector<16xi32>
      %and3A_109 = arith.andi %ge3A_105, %lt3A_108 : vector<16xi1>
      %get3A_110 = arith.constant 0 : i32
      %get3A_111 = arith.index_cast %get3A_110 : i32 to index
      %get3A_112 = arith.constant 48 : index
      %get3A_113 = tpu.vector_load %arg6[%get3A_111, %get3A_112] {strides = array<i32>} : memref<1x256xf32, #tpu.memory_space<vmem>>, vector<16xf32>,
      %get3A_114 = arith.constant 0 : i32
      %get3A_115 = arith.index_cast %get3A_114 : i32 to index
      %get3A_116 = arith.constant 48 : index
      %get3A_117 = tpu.vector_load %arg7[%get3A_115, %get3A_116] {strides = array<i32>} : memref<1x256xf32, #tpu.memory_space<vmem>>, vector<16xf32>,
      tpu.vector_store_idx %arg9[%min3A_102, %broadcast_in_dim3A_1], %get3A_113 masked %and3A_109 : memref<50x130xf32, #tpu.memory_space<vmem>>[vector<16xi32>, vector<16xi32>], vector<16xf32>, vector<16xi1>
      tpu.vector_store_idx %arg9[%min3A_102, %broadcast_in_dim3A_3], %get3A_117 masked %and3A_109 : memref<50x130xf32, #tpu.memory_space<vmem>>[vector<16xi32>, vector<16xi32>], vector<16xf32>, vector<16xi1>
      %scan3A_118 = arith.constant 0 : i32
      %scan3A_119 = arith.constant 50 : i32
      %scan3A_120 = arith.addi %scan3A_118, %scan3A_119 : i32
      %scan3A_121 = arith.constant 1 : i32
      scf.for %scan3A_478 = %scan3A_118 to %scan3A_120 step %scan3A_121  : i32 {
        %mul3A_479 = arith.constant 1 : i32
        %mul3A_480 = arith.muli %scan3A_478, %mul3A_479 : i32
        %add3A_481 = arith.constant 0 : i32
        %add3A_482 = arith.addi %add3A_481, %mul3A_480 : i32
        %add3A_483 = vector.broadcast %add3A_482 : i32 to vector<16xi32>
        %add3A_484 = arith.addi %broadcast_in_dim3A_1, %add3A_483 : vector<16xi32>
        %add3A_485 = arith.constant 0 : i32
        %add3A_486 = arith.addi %add3A_485, %add3A_482 : i32
        %add3A_487 = vector.broadcast %add3A_486 : i32 to vector<16xi32>
        %add3A_488 = arith.addi %broadcast_in_dim3A_1, %add3A_487 : vector<16xi32>
        %add3A_489 = arith.constant 0 : i32
        %add3A_490 = vector.broadcast %add3A_489 : i32 to vector<16xi32>
        %add3A_491 = arith.addi %iota3A, %add3A_490 : vector<16xi32>
        %gather3A = tpu.vector_load_idx %arg8[%add3A_488, %add3A_491] : memref<200x128xf32, #tpu.memory_space<vmem>>[vector<16xi32>, vector<16xi32>], vector<16xf32>,
        %add3A_492 = arith.constant 1 : i32
        %add3A_493 = vector.broadcast %add3A_492 : i32 to vector<16xi32>
        %add3A_494 = arith.addi %iota3A, %add3A_493 : vector<16xi32>
        tpu.vector_store_idx %arg9[%add3A_484, %add3A_494], %gather3A : memref<50x130xf32, #tpu.memory_space<vmem>>[vector<16xi32>, vector<16xi32>], vector<16xf32>,
        %add3A_495 = arith.constant 16 : i32
        %add3A_496 = vector.broadcast %add3A_495 : i32 to vector<16xi32>
        %add3A_497 = arith.addi %iota3A, %add3A_496 : vector<16xi32>
        %gather3A_498 = tpu.vector_load_idx %arg8[%add3A_488, %add3A_497] : memref<200x128xf32, #tpu.memory_space<vmem>>[vector<16xi32>, vector<16xi32>], vector<16xf32>,
        %add3A_499 = arith.constant 17 : i32
        %add3A_500 = vector.broadcast %add3A_499 : i32 to vector<16xi32>
        %add3A_501 = arith.addi %iota3A, %add3A_500 : vector<16xi32>
        tpu.vector_store_idx %arg9[%add3A_484, %add3A_501], %gather3A_498 : memref<50x130xf32, #tpu.memory_space<vmem>>[vector<16xi32>, vector<16xi32>], vector<16xf32>,
        %add3A_502 = arith.constant 32 : i32
        %add3A_503 = vector.broadcast %add3A_502 : i32 to vector<16xi32>
        %add3A_504 = arith.addi %iota3A, %add3A_503 : vector<16xi32>
        %gather3A_505 = tpu.vector_load_idx %arg8[%add3A_488, %add3A_504] : memref<200x128xf32, #tpu.memory_space<vmem>>[vector<16xi32>, vector<16xi32>], vector<16xf32>,
        %add3A_506 = arith.constant 33 : i32
        %add3A_507 = vector.broadcast %add3A_506 : i32 to vector<16xi32>
        %add3A_508 = arith.addi %iota3A, %add3A_507 : vector<16xi32>
        tpu.vector_store_idx %arg9[%add3A_484, %add3A_508], %gather3A_505 : memref<50x130xf32, #tpu.memory_space<vmem>>[vector<16xi32>, vector<16xi32>], vector<16xf32>,
        %add3A_509 = arith.constant 48 : i32
        %add3A_510 = vector.broadcast %add3A_509 : i32 to vector<16xi32>
        %add3A_511 = arith.addi %iota3A, %add3A_510 : vector<16xi32>
        %gather3A_512 = tpu.vector_load_idx %arg8[%add3A_488, %add3A_511] : memref<200x128xf32, #tpu.memory_space<vmem>>[vector<16xi32>, vector<16xi32>], vector<16xf32>,
        %add3A_513 = arith.constant 49 : i32
        %add3A_514 = vector.broadcast %add3A_513 : i32 to vector<16xi32>
        %add3A_515 = arith.addi %iota3A, %add3A_514 : vector<16xi32>
        tpu.vector_store_idx %arg9[%add3A_484, %add3A_515], %gather3A_512 : memref<50x130xf32, #tpu.memory_space<vmem>>[vector<16xi32>, vector<16xi32>], vector<16xf32>,
        %add3A_516 = arith.constant 64 : i32
        %add3A_517 = vector.broadcast %add3A_516 : i32 to vector<16xi32>
        %add3A_518 = arith.addi %iota3A, %add3A_517 : vector<16xi32>
        %gather3A_519 = tpu.vector_load_idx %arg8[%add3A_488, %add3A_518] : memref<200x128xf32, #tpu.memory_space<vmem>>[vector<16xi32>, vector<16xi32>], vector<16xf32>,
        %add3A_520 = arith.constant 65 : i32
        %add3A_521 = vector.broadcast %add3A_520 : i32 to vector<16xi32>
        %add3A_522 = arith.addi %iota3A, %add3A_521 : vector<16xi32>
        tpu.vector_store_idx %arg9[%add3A_484, %add3A_522], %gather3A_519 : memref<50x130xf32, #tpu.memory_space<vmem>>[vector<16xi32>, vector<16xi32>], vector<16xf32>,
        %add3A_523 = arith.constant 80 : i32
        %add3A_524 = vector.broadcast %add3A_523 : i32 to vector<16xi32>
        %add3A_525 = arith.addi %iota3A, %add3A_524 : vector<16xi32>
        %gather3A_526 = tpu.vector_load_idx %arg8[%add3A_488, %add3A_525] : memref<200x128xf32, #tpu.memory_space<vmem>>[vector<16xi32>, vector<16xi32>], vector<16xf32>,
        %add3A_527 = arith.constant 81 : i32
        %add3A_528 = vector.broadcast %add3A_527 : i32 to vector<16xi32>
        %add3A_529 = arith.addi %iota3A, %add3A_528 : vector<16xi32>
        tpu.vector_store_idx %arg9[%add3A_484, %add3A_529], %gather3A_526 : memref<50x130xf32, #tpu.memory_space<vmem>>[vector<16xi32>, vector<16xi32>], vector<16xf32>,
        %add3A_530 = arith.constant 96 : i32
        %add3A_531 = vector.broadcast %add3A_530 : i32 to vector<16xi32>
        %add3A_532 = arith.addi %iota3A, %add3A_531 : vector<16xi32>
        %gather3A_533 = tpu.vector_load_idx %arg8[%add3A_488, %add3A_532] : memref<200x128xf32, #tpu.memory_space<vmem>>[vector<16xi32>, vector<16xi32>], vector<16xf32>,
        %add3A_534 = arith.constant 97 : i32
        %add3A_535 = vector.broadcast %add3A_534 : i32 to vector<16xi32>
        %add3A_536 = arith.addi %iota3A, %add3A_535 : vector<16xi32>
        tpu.vector_store_idx %arg9[%add3A_484, %add3A_536], %gather3A_533 : memref<50x130xf32, #tpu.memory_space<vmem>>[vector<16xi32>, vector<16xi32>], vector<16xf32>,
        %add3A_537 = arith.constant 112 : i32
        %add3A_538 = vector.broadcast %add3A_537 : i32 to vector<16xi32>
        %add3A_539 = arith.addi %iota3A, %add3A_538 : vector<16xi32>
        %gather3A_540 = tpu.vector_load_idx %arg8[%add3A_488, %add3A_539] : memref<200x128xf32, #tpu.memory_space<vmem>>[vector<16xi32>, vector<16xi32>], vector<16xf32>,
        %add3A_541 = arith.constant 113 : i32
        %add3A_542 = vector.broadcast %add3A_541 : i32 to vector<16xi32>
        %add3A_543 = arith.addi %iota3A, %add3A_542 : vector<16xi32>
        tpu.vector_store_idx %arg9[%add3A_484, %add3A_543], %gather3A_540 : memref<50x130xf32, #tpu.memory_space<vmem>>[vector<16xi32>, vector<16xi32>], vector<16xf32>,
      }
      %scan3A_122 = arith.constant 50 : i32
      %mul3A_123 = arith.constant 4 : i32
      %mul3A_124 = arith.muli %add3A_15, %mul3A_123 : i32
      %add3A_125 = arith.constant 0 : i32
      %add3A_126 = arith.addi %mul3A_124, %add3A_125 : i32
      "tpu.region"() ({
        %run_scoped3A = tpu.sem_alloc : memref<!tpu.dma_semaphore, #tpu.memory_space<semaphore_mem>>
        %dma_start3A = arith.constant 0 : i32
        %dma_start3A_478 = arith.constant 0 : i32
        %dma_start3A_479 = tpu.memref_slice %arg5[%add3A_126, %dma_start3A, %dma_start3A_478] : memref<4096x50x130xf32, #tpu.memory_space<hbm>> -> memref<1x50x130xf32, #tpu.memory_space<hbm>>
        %dma_start3A_480 = tpu.memref_squeeze %dma_start3A_479 : memref<1x50x130xf32, #tpu.memory_space<hbm>> -> memref<50x130xf32, #tpu.memory_space<hbm>>
        %dma_start3A_481 = arith.constant 0 : i32
        %dma_start3A_482 = arith.constant 0 : i32
        %dma_start3A_483 = tpu.memref_slice %arg5[%add3A_126, %dma_start3A_481, %dma_start3A_482] : memref<4096x50x130xf32, #tpu.memory_space<hbm>> -> memref<1x50x130xf32, #tpu.memory_space<hbm>>
        %dma_start3A_484 = tpu.memref_squeeze %dma_start3A_483 : memref<1x50x130xf32, #tpu.memory_space<hbm>> -> memref<50x130xf32, #tpu.memory_space<hbm>>
        tpu.enqueue_dma source(%arg9 : memref<50x130xf32, #tpu.memory_space<vmem>>) target(%dma_start3A_484 : memref<50x130xf32, #tpu.memory_space<hbm>>) target_semaphore(%run_scoped3A : memref<!tpu.dma_semaphore, #tpu.memory_space<semaphore_mem>>)
        %dma_wait3A = arith.constant 0 : i32
        %dma_wait3A_485 = arith.constant 0 : i32
        %dma_wait3A_486 = tpu.memref_slice %arg5[%add3A_126, %dma_wait3A, %dma_wait3A_485] : memref<4096x50x130xf32, #tpu.memory_space<hbm>> -> memref<1x50x130xf32, #tpu.memory_space<hbm>>
        %dma_wait3A_487 = tpu.memref_squeeze %dma_wait3A_486 : memref<1x50x130xf32, #tpu.memory_space<hbm>> -> memref<50x130xf32, #tpu.memory_space<hbm>>
        %dma_wait3A_488 = arith.constant 0 : i32
        %dma_wait3A_489 = arith.constant 0 : i32
        %dma_wait3A_490 = tpu.memref_slice %arg5[%add3A_126, %dma_wait3A_488, %dma_wait3A_489] : memref<4096x50x130xf32, #tpu.memory_space<hbm>> -> memref<1x50x130xf32, #tpu.memory_space<hbm>>
        %dma_wait3A_491 = tpu.memref_squeeze %dma_wait3A_490 : memref<1x50x130xf32, #tpu.memory_space<hbm>> -> memref<50x130xf32, #tpu.memory_space<hbm>>
        tpu.wait_dma2 semaphore(%run_scoped3A : memref<!tpu.dma_semaphore, #tpu.memory_space<semaphore_mem>>) src(%arg9 : memref<50x130xf32, #tpu.memory_space<vmem>>) dst(%dma_wait3A_491 : memref<50x130xf32, #tpu.memory_space<hbm>>)
        tpu.yield
      }) : () -> ()
      %add3A_127 = arith.constant 48 : i32
      %add3A_128 = vector.broadcast %add3A_127 : i32 to vector<16xi32>
      %add3A_129 = arith.addi %iota3A, %add3A_128 : vector<16xi32>
      %sub3A_130 = arith.constant 50 : i32
      %sub3A_131 = vector.broadcast %sub3A_130 : i32 to vector<16xi32>
      %sub3A_132 = arith.subi %add3A_129, %sub3A_131 : vector<16xi32>
      %jit3A_133 = arith.constant 0 : i32
      %jit3A_134 = arith.constant 49 : i32
      %max3A_135 = vector.broadcast %jit3A_133 : i32 to vector<16xi32>
      %max3A_136 = arith.maxsi %max3A_135, %sub3A_132 : vector<16xi32>
      %min3A_137 = vector.broadcast %jit3A_134 : i32 to vector<16xi32>
      %min3A_138 = arith.minsi %min3A_137, %max3A_136 : vector<16xi32>
      %ge3A_139 = arith.constant 0 : i32
      %ge3A_140 = vector.broadcast %ge3A_139 : i32 to vector<16xi32>
      %ge3A_141 = arith.cmpi sge, %sub3A_132, %ge3A_140 : vector<16xi32>
      %lt3A_142 = arith.constant 50 : i32
      %lt3A_143 = vector.broadcast %lt3A_142 : i32 to vector<16xi32>
      %lt3A_144 = arith.cmpi slt, %sub3A_132, %lt3A_143 : vector<16xi32>
      %and3A_145 = arith.andi %ge3A_141, %lt3A_144 : vector<16xi1>
      %get3A_146 = arith.constant 0 : i32
      %get3A_147 = arith.index_cast %get3A_146 : i32 to index
      %get3A_148 = arith.constant 48 : index
      %get3A_149 = tpu.vector_load %arg6[%get3A_147, %get3A_148] {strides = array<i32>} : memref<1x256xf32, #tpu.memory_space<vmem>>, vector<16xf32>,
      %get3A_150 = arith.constant 0 : i32
      %get3A_151 = arith.index_cast %get3A_150 : i32 to index
      %get3A_152 = arith.constant 48 : index
      %get3A_153 = tpu.vector_load %arg7[%get3A_151, %get3A_152] {strides = array<i32>} : memref<1x256xf32, #tpu.memory_space<vmem>>, vector<16xf32>,
      tpu.vector_store_idx %arg9[%min3A_138, %broadcast_in_dim3A_1], %get3A_149 masked %and3A_145 : memref<50x130xf32, #tpu.memory_space<vmem>>[vector<16xi32>, vector<16xi32>], vector<16xf32>, vector<16xi1>
      tpu.vector_store_idx %arg9[%min3A_138, %broadcast_in_dim3A_3], %get3A_153 masked %and3A_145 : memref<50x130xf32, #tpu.memory_space<vmem>>[vector<16xi32>, vector<16xi32>], vector<16xf32>, vector<16xi1>
      %add3A_154 = arith.constant 64 : i32
      %add3A_155 = vector.broadcast %add3A_154 : i32 to vector<16xi32>
      %add3A_156 = arith.addi %iota3A, %add3A_155 : vector<16xi32>
      %sub3A_157 = arith.constant 50 : i32
      %sub3A_158 = vector.broadcast %sub3A_157 : i32 to vector<16xi32>
      %sub3A_159 = arith.subi %add3A_156, %sub3A_158 : vector<16xi32>
      %jit3A_160 = arith.constant 0 : i32
      %jit3A_161 = arith.constant 49 : i32
      %max3A_162 = vector.broadcast %jit3A_160 : i32 to vector<16xi32>
      %max3A_163 = arith.maxsi %max3A_162, %sub3A_159 : vector<16xi32>
      %min3A_164 = vector.broadcast %jit3A_161 : i32 to vector<16xi32>
      %min3A_165 = arith.minsi %min3A_164, %max3A_163 : vector<16xi32>
      %ge3A_166 = arith.constant 0 : i32
      %ge3A_167 = vector.broadcast %ge3A_166 : i32 to vector<16xi32>
      %ge3A_168 = arith.cmpi sge, %sub3A_159, %ge3A_167 : vector<16xi32>
      %lt3A_169 = arith.constant 50 : i32
      %lt3A_170 = vector.broadcast %lt3A_169 : i32 to vector<16xi32>
      %lt3A_171 = arith.cmpi slt, %sub3A_159, %lt3A_170 : vector<16xi32>
      %and3A_172 = arith.andi %ge3A_168, %lt3A_171 : vector<16xi1>
      %get3A_173 = arith.constant 0 : i32
      %get3A_174 = arith.index_cast %get3A_173 : i32 to index
      %get3A_175 = arith.constant 64 : index
      %get3A_176 = tpu.vector_load %arg6[%get3A_174, %get3A_175] {strides = array<i32>} : memref<1x256xf32, #tpu.memory_space<vmem>>, vector<16xf32>,
      %get3A_177 = arith.constant 0 : i32
      %get3A_178 = arith.index_cast %get3A_177 : i32 to index
      %get3A_179 = arith.constant 64 : index
      %get3A_180 = tpu.vector_load %arg7[%get3A_178, %get3A_179] {strides = array<i32>} : memref<1x256xf32, #tpu.memory_space<vmem>>, vector<16xf32>,
      tpu.vector_store_idx %arg9[%min3A_165, %broadcast_in_dim3A_1], %get3A_176 : memref<50x130xf32, #tpu.memory_space<vmem>>[vector<16xi32>, vector<16xi32>], vector<16xf32>,
      tpu.vector_store_idx %arg9[%min3A_165, %broadcast_in_dim3A_3], %get3A_180 : memref<50x130xf32, #tpu.memory_space<vmem>>[vector<16xi32>, vector<16xi32>], vector<16xf32>,
      %add3A_181 = arith.constant 80 : i32
      %add3A_182 = vector.broadcast %add3A_181 : i32 to vector<16xi32>
      %add3A_183 = arith.addi %iota3A, %add3A_182 : vector<16xi32>
      %sub3A_184 = arith.constant 50 : i32
      %sub3A_185 = vector.broadcast %sub3A_184 : i32 to vector<16xi32>
      %sub3A_186 = arith.subi %add3A_183, %sub3A_185 : vector<16xi32>
      %jit3A_187 = arith.constant 0 : i32
      %jit3A_188 = arith.constant 49 : i32
      %max3A_189 = vector.broadcast %jit3A_187 : i32 to vector<16xi32>
      %max3A_190 = arith.maxsi %max3A_189, %sub3A_186 : vector<16xi32>
      %min3A_191 = vector.broadcast %jit3A_188 : i32 to vector<16xi32>
      %min3A_192 = arith.minsi %min3A_191, %max3A_190 : vector<16xi32>
      %ge3A_193 = arith.constant 0 : i32
      %ge3A_194 = vector.broadcast %ge3A_193 : i32 to vector<16xi32>
      %ge3A_195 = arith.cmpi sge, %sub3A_186, %ge3A_194 : vector<16xi32>
      %lt3A_196 = arith.constant 50 : i32
      %lt3A_197 = vector.broadcast %lt3A_196 : i32 to vector<16xi32>
      %lt3A_198 = arith.cmpi slt, %sub3A_186, %lt3A_197 : vector<16xi32>
      %and3A_199 = arith.andi %ge3A_195, %lt3A_198 : vector<16xi1>
      %get3A_200 = arith.constant 0 : i32
      %get3A_201 = arith.index_cast %get3A_200 : i32 to index
      %get3A_202 = arith.constant 80 : index
      %get3A_203 = tpu.vector_load %arg6[%get3A_201, %get3A_202] {strides = array<i32>} : memref<1x256xf32, #tpu.memory_space<vmem>>, vector<16xf32>,
      %get3A_204 = arith.constant 0 : i32
      %get3A_205 = arith.index_cast %get3A_204 : i32 to index
      %get3A_206 = arith.constant 80 : index
      %get3A_207 = tpu.vector_load %arg7[%get3A_205, %get3A_206] {strides = array<i32>} : memref<1x256xf32, #tpu.memory_space<vmem>>, vector<16xf32>,
      tpu.vector_store_idx %arg9[%min3A_192, %broadcast_in_dim3A_1], %get3A_203 : memref<50x130xf32, #tpu.memory_space<vmem>>[vector<16xi32>, vector<16xi32>], vector<16xf32>,
      tpu.vector_store_idx %arg9[%min3A_192, %broadcast_in_dim3A_3], %get3A_207 : memref<50x130xf32, #tpu.memory_space<vmem>>[vector<16xi32>, vector<16xi32>], vector<16xf32>,
      %add3A_208 = arith.constant 96 : i32
      %add3A_209 = vector.broadcast %add3A_208 : i32 to vector<16xi32>
      %add3A_210 = arith.addi %iota3A, %add3A_209 : vector<16xi32>
      %sub3A_211 = arith.constant 50 : i32
      %sub3A_212 = vector.broadcast %sub3A_211 : i32 to vector<16xi32>
      %sub3A_213 = arith.subi %add3A_210, %sub3A_212 : vector<16xi32>
      %jit3A_214 = arith.constant 0 : i32
      %jit3A_215 = arith.constant 49 : i32
      %max3A_216 = vector.broadcast %jit3A_214 : i32 to vector<16xi32>
      %max3A_217 = arith.maxsi %max3A_216, %sub3A_213 : vector<16xi32>
      %min3A_218 = vector.broadcast %jit3A_215 : i32 to vector<16xi32>
      %min3A_219 = arith.minsi %min3A_218, %max3A_217 : vector<16xi32>
      %ge3A_220 = arith.constant 0 : i32
      %ge3A_221 = vector.broadcast %ge3A_220 : i32 to vector<16xi32>
      %ge3A_222 = arith.cmpi sge, %sub3A_213, %ge3A_221 : vector<16xi32>
      %lt3A_223 = arith.constant 50 : i32
      %lt3A_224 = vector.broadcast %lt3A_223 : i32 to vector<16xi32>
      %lt3A_225 = arith.cmpi slt, %sub3A_213, %lt3A_224 : vector<16xi32>
      %and3A_226 = arith.andi %ge3A_222, %lt3A_225 : vector<16xi1>
      %get3A_227 = arith.constant 0 : i32
      %get3A_228 = arith.index_cast %get3A_227 : i32 to index
      %get3A_229 = arith.constant 96 : index
      %get3A_230 = tpu.vector_load %arg6[%get3A_228, %get3A_229] {strides = array<i32>} : memref<1x256xf32, #tpu.memory_space<vmem>>, vector<16xf32>,
      %get3A_231 = arith.constant 0 : i32
      %get3A_232 = arith.index_cast %get3A_231 : i32 to index
      %get3A_233 = arith.constant 96 : index
      %get3A_234 = tpu.vector_load %arg7[%get3A_232, %get3A_233] {strides = array<i32>} : memref<1x256xf32, #tpu.memory_space<vmem>>, vector<16xf32>,
      tpu.vector_store_idx %arg9[%min3A_219, %broadcast_in_dim3A_1], %get3A_230 masked %and3A_226 : memref<50x130xf32, #tpu.memory_space<vmem>>[vector<16xi32>, vector<16xi32>], vector<16xf32>, vector<16xi1>
      tpu.vector_store_idx %arg9[%min3A_219, %broadcast_in_dim3A_3], %get3A_234 masked %and3A_226 : memref<50x130xf32, #tpu.memory_space<vmem>>[vector<16xi32>, vector<16xi32>], vector<16xf32>, vector<16xi1>
      %scan3A_235 = arith.constant 0 : i32
      %scan3A_236 = arith.constant 50 : i32
      %scan3A_237 = arith.addi %scan3A_235, %scan3A_236 : i32
      %scan3A_238 = arith.constant 1 : i32
      scf.for %scan3A_478 = %scan3A_235 to %scan3A_237 step %scan3A_238  : i32 {
        %mul3A_479 = arith.constant 1 : i32
        %mul3A_480 = arith.muli %scan3A_478, %mul3A_479 : i32
        %add3A_481 = arith.constant 0 : i32
        %add3A_482 = arith.addi %add3A_481, %mul3A_480 : i32
        %add3A_483 = vector.broadcast %add3A_482 : i32 to vector<16xi32>
        %add3A_484 = arith.addi %broadcast_in_dim3A_1, %add3A_483 : vector<16xi32>
        %add3A_485 = arith.constant 50 : i32
        %add3A_486 = arith.addi %add3A_485, %add3A_482 : i32
        %add3A_487 = vector.broadcast %add3A_486 : i32 to vector<16xi32>
        %add3A_488 = arith.addi %broadcast_in_dim3A_1, %add3A_487 : vector<16xi32>
        %add3A_489 = arith.constant 0 : i32
        %add3A_490 = vector.broadcast %add3A_489 : i32 to vector<16xi32>
        %add3A_491 = arith.addi %iota3A, %add3A_490 : vector<16xi32>
        %gather3A = tpu.vector_load_idx %arg8[%add3A_488, %add3A_491] : memref<200x128xf32, #tpu.memory_space<vmem>>[vector<16xi32>, vector<16xi32>], vector<16xf32>,
        %add3A_492 = arith.constant 1 : i32
        %add3A_493 = vector.broadcast %add3A_492 : i32 to vector<16xi32>
        %add3A_494 = arith.addi %iota3A, %add3A_493 : vector<16xi32>
        tpu.vector_store_idx %arg9[%add3A_484, %add3A_494], %gather3A : memref<50x130xf32, #tpu.memory_space<vmem>>[vector<16xi32>, vector<16xi32>], vector<16xf32>,
        %add3A_495 = arith.constant 16 : i32
        %add3A_496 = vector.broadcast %add3A_495 : i32 to vector<16xi32>
        %add3A_497 = arith.addi %iota3A, %add3A_496 : vector<16xi32>
        %gather3A_498 = tpu.vector_load_idx %arg8[%add3A_488, %add3A_497] : memref<200x128xf32, #tpu.memory_space<vmem>>[vector<16xi32>, vector<16xi32>], vector<16xf32>,
        %add3A_499 = arith.constant 17 : i32
        %add3A_500 = vector.broadcast %add3A_499 : i32 to vector<16xi32>
        %add3A_501 = arith.addi %iota3A, %add3A_500 : vector<16xi32>
        tpu.vector_store_idx %arg9[%add3A_484, %add3A_501], %gather3A_498 : memref<50x130xf32, #tpu.memory_space<vmem>>[vector<16xi32>, vector<16xi32>], vector<16xf32>,
        %add3A_502 = arith.constant 32 : i32
        %add3A_503 = vector.broadcast %add3A_502 : i32 to vector<16xi32>
        %add3A_504 = arith.addi %iota3A, %add3A_503 : vector<16xi32>
        %gather3A_505 = tpu.vector_load_idx %arg8[%add3A_488, %add3A_504] : memref<200x128xf32, #tpu.memory_space<vmem>>[vector<16xi32>, vector<16xi32>], vector<16xf32>,
        %add3A_506 = arith.constant 33 : i32
        %add3A_507 = vector.broadcast %add3A_506 : i32 to vector<16xi32>
        %add3A_508 = arith.addi %iota3A, %add3A_507 : vector<16xi32>
        tpu.vector_store_idx %arg9[%add3A_484, %add3A_508], %gather3A_505 : memref<50x130xf32, #tpu.memory_space<vmem>>[vector<16xi32>, vector<16xi32>], vector<16xf32>,
        %add3A_509 = arith.constant 48 : i32
        %add3A_510 = vector.broadcast %add3A_509 : i32 to vector<16xi32>
        %add3A_511 = arith.addi %iota3A, %add3A_510 : vector<16xi32>
        %gather3A_512 = tpu.vector_load_idx %arg8[%add3A_488, %add3A_511] : memref<200x128xf32, #tpu.memory_space<vmem>>[vector<16xi32>, vector<16xi32>], vector<16xf32>,
        %add3A_513 = arith.constant 49 : i32
        %add3A_514 = vector.broadcast %add3A_513 : i32 to vector<16xi32>
        %add3A_515 = arith.addi %iota3A, %add3A_514 : vector<16xi32>
        tpu.vector_store_idx %arg9[%add3A_484, %add3A_515], %gather3A_512 : memref<50x130xf32, #tpu.memory_space<vmem>>[vector<16xi32>, vector<16xi32>], vector<16xf32>,
        %add3A_516 = arith.constant 64 : i32
        %add3A_517 = vector.broadcast %add3A_516 : i32 to vector<16xi32>
        %add3A_518 = arith.addi %iota3A, %add3A_517 : vector<16xi32>
        %gather3A_519 = tpu.vector_load_idx %arg8[%add3A_488, %add3A_518] : memref<200x128xf32, #tpu.memory_space<vmem>>[vector<16xi32>, vector<16xi32>], vector<16xf32>,
        %add3A_520 = arith.constant 65 : i32
        %add3A_521 = vector.broadcast %add3A_520 : i32 to vector<16xi32>
        %add3A_522 = arith.addi %iota3A, %add3A_521 : vector<16xi32>
        tpu.vector_store_idx %arg9[%add3A_484, %add3A_522], %gather3A_519 : memref<50x130xf32, #tpu.memory_space<vmem>>[vector<16xi32>, vector<16xi32>], vector<16xf32>,
        %add3A_523 = arith.constant 80 : i32
        %add3A_524 = vector.broadcast %add3A_523 : i32 to vector<16xi32>
        %add3A_525 = arith.addi %iota3A, %add3A_524 : vector<16xi32>
        %gather3A_526 = tpu.vector_load_idx %arg8[%add3A_488, %add3A_525] : memref<200x128xf32, #tpu.memory_space<vmem>>[vector<16xi32>, vector<16xi32>], vector<16xf32>,
        %add3A_527 = arith.constant 81 : i32
        %add3A_528 = vector.broadcast %add3A_527 : i32 to vector<16xi32>
        %add3A_529 = arith.addi %iota3A, %add3A_528 : vector<16xi32>
        tpu.vector_store_idx %arg9[%add3A_484, %add3A_529], %gather3A_526 : memref<50x130xf32, #tpu.memory_space<vmem>>[vector<16xi32>, vector<16xi32>], vector<16xf32>,
        %add3A_530 = arith.constant 96 : i32
        %add3A_531 = vector.broadcast %add3A_530 : i32 to vector<16xi32>
        %add3A_532 = arith.addi %iota3A, %add3A_531 : vector<16xi32>
        %gather3A_533 = tpu.vector_load_idx %arg8[%add3A_488, %add3A_532] : memref<200x128xf32, #tpu.memory_space<vmem>>[vector<16xi32>, vector<16xi32>], vector<16xf32>,
        %add3A_534 = arith.constant 97 : i32
        %add3A_535 = vector.broadcast %add3A_534 : i32 to vector<16xi32>
        %add3A_536 = arith.addi %iota3A, %add3A_535 : vector<16xi32>
        tpu.vector_store_idx %arg9[%add3A_484, %add3A_536], %gather3A_533 : memref<50x130xf32, #tpu.memory_space<vmem>>[vector<16xi32>, vector<16xi32>], vector<16xf32>,
        %add3A_537 = arith.constant 112 : i32
        %add3A_538 = vector.broadcast %add3A_537 : i32 to vector<16xi32>
        %add3A_539 = arith.addi %iota3A, %add3A_538 : vector<16xi32>
        %gather3A_540 = tpu.vector_load_idx %arg8[%add3A_488, %add3A_539] : memref<200x128xf32, #tpu.memory_space<vmem>>[vector<16xi32>, vector<16xi32>], vector<16xf32>,
        %add3A_541 = arith.constant 113 : i32
        %add3A_542 = vector.broadcast %add3A_541 : i32 to vector<16xi32>
        %add3A_543 = arith.addi %iota3A, %add3A_542 : vector<16xi32>
        tpu.vector_store_idx %arg9[%add3A_484, %add3A_543], %gather3A_540 : memref<50x130xf32, #tpu.memory_space<vmem>>[vector<16xi32>, vector<16xi32>], vector<16xf32>,
      }
      %scan3A_239 = arith.constant 50 : i32
      %mul3A_240 = arith.constant 4 : i32
      %mul3A_241 = arith.muli %add3A_15, %mul3A_240 : i32
      %add3A_242 = arith.constant 1 : i32
      %add3A_243 = arith.addi %mul3A_241, %add3A_242 : i32
      "tpu.region"() ({
        %run_scoped3A = tpu.sem_alloc : memref<!tpu.dma_semaphore, #tpu.memory_space<semaphore_mem>>
        %dma_start3A = arith.constant 0 : i32
        %dma_start3A_478 = arith.constant 0 : i32
        %dma_start3A_479 = tpu.memref_slice %arg5[%add3A_243, %dma_start3A, %dma_start3A_478] : memref<4096x50x130xf32, #tpu.memory_space<hbm>> -> memref<1x50x130xf32, #tpu.memory_space<hbm>>
        %dma_start3A_480 = tpu.memref_squeeze %dma_start3A_479 : memref<1x50x130xf32, #tpu.memory_space<hbm>> -> memref<50x130xf32, #tpu.memory_space<hbm>>
        %dma_start3A_481 = arith.constant 0 : i32
        %dma_start3A_482 = arith.constant 0 : i32
        %dma_start3A_483 = tpu.memref_slice %arg5[%add3A_243, %dma_start3A_481, %dma_start3A_482] : memref<4096x50x130xf32, #tpu.memory_space<hbm>> -> memref<1x50x130xf32, #tpu.memory_space<hbm>>
        %dma_start3A_484 = tpu.memref_squeeze %dma_start3A_483 : memref<1x50x130xf32, #tpu.memory_space<hbm>> -> memref<50x130xf32, #tpu.memory_space<hbm>>
        tpu.enqueue_dma source(%arg9 : memref<50x130xf32, #tpu.memory_space<vmem>>) target(%dma_start3A_484 : memref<50x130xf32, #tpu.memory_space<hbm>>) target_semaphore(%run_scoped3A : memref<!tpu.dma_semaphore, #tpu.memory_space<semaphore_mem>>)
        %dma_wait3A = arith.constant 0 : i32
        %dma_wait3A_485 = arith.constant 0 : i32
        %dma_wait3A_486 = tpu.memref_slice %arg5[%add3A_243, %dma_wait3A, %dma_wait3A_485] : memref<4096x50x130xf32, #tpu.memory_space<hbm>> -> memref<1x50x130xf32, #tpu.memory_space<hbm>>
        %dma_wait3A_487 = tpu.memref_squeeze %dma_wait3A_486 : memref<1x50x130xf32, #tpu.memory_space<hbm>> -> memref<50x130xf32, #tpu.memory_space<hbm>>
        %dma_wait3A_488 = arith.constant 0 : i32
        %dma_wait3A_489 = arith.constant 0 : i32
        %dma_wait3A_490 = tpu.memref_slice %arg5[%add3A_243, %dma_wait3A_488, %dma_wait3A_489] : memref<4096x50x130xf32, #tpu.memory_space<hbm>> -> memref<1x50x130xf32, #tpu.memory_space<hbm>>
        %dma_wait3A_491 = tpu.memref_squeeze %dma_wait3A_490 : memref<1x50x130xf32, #tpu.memory_space<hbm>> -> memref<50x130xf32, #tpu.memory_space<hbm>>
        tpu.wait_dma2 semaphore(%run_scoped3A : memref<!tpu.dma_semaphore, #tpu.memory_space<semaphore_mem>>) src(%arg9 : memref<50x130xf32, #tpu.memory_space<vmem>>) dst(%dma_wait3A_491 : memref<50x130xf32, #tpu.memory_space<hbm>>)
        tpu.yield
      }) : () -> ()
      %add3A_244 = arith.constant 96 : i32
      %add3A_245 = vector.broadcast %add3A_244 : i32 to vector<16xi32>
      %add3A_246 = arith.addi %iota3A, %add3A_245 : vector<16xi32>
      %sub3A_247 = arith.constant 100 : i32
      %sub3A_248 = vector.broadcast %sub3A_247 : i32 to vector<16xi32>
      %sub3A_249 = arith.subi %add3A_246, %sub3A_248 : vector<16xi32>
      %jit3A_250 = arith.constant 0 : i32
      %jit3A_251 = arith.constant 49 : i32
      %max3A_252 = vector.broadcast %jit3A_250 : i32 to vector<16xi32>
      %max3A_253 = arith.maxsi %max3A_252, %sub3A_249 : vector<16xi32>
      %min3A_254 = vector.broadcast %jit3A_251 : i32 to vector<16xi32>
      %min3A_255 = arith.minsi %min3A_254, %max3A_253 : vector<16xi32>
      %ge3A_256 = arith.constant 0 : i32
      %ge3A_257 = vector.broadcast %ge3A_256 : i32 to vector<16xi32>
      %ge3A_258 = arith.cmpi sge, %sub3A_249, %ge3A_257 : vector<16xi32>
      %lt3A_259 = arith.constant 50 : i32
      %lt3A_260 = vector.broadcast %lt3A_259 : i32 to vector<16xi32>
      %lt3A_261 = arith.cmpi slt, %sub3A_249, %lt3A_260 : vector<16xi32>
      %and3A_262 = arith.andi %ge3A_258, %lt3A_261 : vector<16xi1>
      %get3A_263 = arith.constant 0 : i32
      %get3A_264 = arith.index_cast %get3A_263 : i32 to index
      %get3A_265 = arith.constant 96 : index
      %get3A_266 = tpu.vector_load %arg6[%get3A_264, %get3A_265] {strides = array<i32>} : memref<1x256xf32, #tpu.memory_space<vmem>>, vector<16xf32>,
      %get3A_267 = arith.constant 0 : i32
      %get3A_268 = arith.index_cast %get3A_267 : i32 to index
      %get3A_269 = arith.constant 96 : index
      %get3A_270 = tpu.vector_load %arg7[%get3A_268, %get3A_269] {strides = array<i32>} : memref<1x256xf32, #tpu.memory_space<vmem>>, vector<16xf32>,
      tpu.vector_store_idx %arg9[%min3A_255, %broadcast_in_dim3A_1], %get3A_266 masked %and3A_262 : memref<50x130xf32, #tpu.memory_space<vmem>>[vector<16xi32>, vector<16xi32>], vector<16xf32>, vector<16xi1>
      tpu.vector_store_idx %arg9[%min3A_255, %broadcast_in_dim3A_3], %get3A_270 masked %and3A_262 : memref<50x130xf32, #tpu.memory_space<vmem>>[vector<16xi32>, vector<16xi32>], vector<16xf32>, vector<16xi1>
      %add3A_271 = arith.constant 112 : i32
      %add3A_272 = vector.broadcast %add3A_271 : i32 to vector<16xi32>
      %add3A_273 = arith.addi %iota3A, %add3A_272 : vector<16xi32>
      %sub3A_274 = arith.constant 100 : i32
      %sub3A_275 = vector.broadcast %sub3A_274 : i32 to vector<16xi32>
      %sub3A_276 = arith.subi %add3A_273, %sub3A_275 : vector<16xi32>
      %jit3A_277 = arith.constant 0 : i32
      %jit3A_278 = arith.constant 49 : i32
      %max3A_279 = vector.broadcast %jit3A_277 : i32 to vector<16xi32>
      %max3A_280 = arith.maxsi %max3A_279, %sub3A_276 : vector<16xi32>
      %min3A_281 = vector.broadcast %jit3A_278 : i32 to vector<16xi32>
      %min3A_282 = arith.minsi %min3A_281, %max3A_280 : vector<16xi32>
      %ge3A_283 = arith.constant 0 : i32
      %ge3A_284 = vector.broadcast %ge3A_283 : i32 to vector<16xi32>
      %ge3A_285 = arith.cmpi sge, %sub3A_276, %ge3A_284 : vector<16xi32>
      %lt3A_286 = arith.constant 50 : i32
      %lt3A_287 = vector.broadcast %lt3A_286 : i32 to vector<16xi32>
      %lt3A_288 = arith.cmpi slt, %sub3A_276, %lt3A_287 : vector<16xi32>
      %and3A_289 = arith.andi %ge3A_285, %lt3A_288 : vector<16xi1>
      %get3A_290 = arith.constant 0 : i32
      %get3A_291 = arith.index_cast %get3A_290 : i32 to index
      %get3A_292 = arith.constant 112 : index
      %get3A_293 = tpu.vector_load %arg6[%get3A_291, %get3A_292] {strides = array<i32>} : memref<1x256xf32, #tpu.memory_space<vmem>>, vector<16xf32>,
      %get3A_294 = arith.constant 0 : i32
      %get3A_295 = arith.index_cast %get3A_294 : i32 to index
      %get3A_296 = arith.constant 112 : index
      %get3A_297 = tpu.vector_load %arg7[%get3A_295, %get3A_296] {strides = array<i32>} : memref<1x256xf32, #tpu.memory_space<vmem>>, vector<16xf32>,
      tpu.vector_store_idx %arg9[%min3A_282, %broadcast_in_dim3A_1], %get3A_293 : memref<50x130xf32, #tpu.memory_space<vmem>>[vector<16xi32>, vector<16xi32>], vector<16xf32>,
      tpu.vector_store_idx %arg9[%min3A_282, %broadcast_in_dim3A_3], %get3A_297 : memref<50x130xf32, #tpu.memory_space<vmem>>[vector<16xi32>, vector<16xi32>], vector<16xf32>,
      %add3A_298 = arith.constant 128 : i32
      %add3A_299 = vector.broadcast %add3A_298 : i32 to vector<16xi32>
      %add3A_300 = arith.addi %iota3A, %add3A_299 : vector<16xi32>
      %sub3A_301 = arith.constant 100 : i32
      %sub3A_302 = vector.broadcast %sub3A_301 : i32 to vector<16xi32>
      %sub3A_303 = arith.subi %add3A_300, %sub3A_302 : vector<16xi32>
      %jit3A_304 = arith.constant 0 : i32
      %jit3A_305 = arith.constant 49 : i32
      %max3A_306 = vector.broadcast %jit3A_304 : i32 to vector<16xi32>
      %max3A_307 = arith.maxsi %max3A_306, %sub3A_303 : vector<16xi32>
      %min3A_308 = vector.broadcast %jit3A_305 : i32 to vector<16xi32>
      %min3A_309 = arith.minsi %min3A_308, %max3A_307 : vector<16xi32>
      %ge3A_310 = arith.constant 0 : i32
      %ge3A_311 = vector.broadcast %ge3A_310 : i32 to vector<16xi32>
      %ge3A_312 = arith.cmpi sge, %sub3A_303, %ge3A_311 : vector<16xi32>
      %lt3A_313 = arith.constant 50 : i32
      %lt3A_314 = vector.broadcast %lt3A_313 : i32 to vector<16xi32>
      %lt3A_315 = arith.cmpi slt, %sub3A_303, %lt3A_314 : vector<16xi32>
      %and3A_316 = arith.andi %ge3A_312, %lt3A_315 : vector<16xi1>
      %get3A_317 = arith.constant 0 : i32
      %get3A_318 = arith.index_cast %get3A_317 : i32 to index
      %get3A_319 = arith.constant 128 : index
      %get3A_320 = tpu.vector_load %arg6[%get3A_318, %get3A_319] {strides = array<i32>} : memref<1x256xf32, #tpu.memory_space<vmem>>, vector<16xf32>,
      %get3A_321 = arith.constant 0 : i32
      %get3A_322 = arith.index_cast %get3A_321 : i32 to index
      %get3A_323 = arith.constant 128 : index
      %get3A_324 = tpu.vector_load %arg7[%get3A_322, %get3A_323] {strides = array<i32>} : memref<1x256xf32, #tpu.memory_space<vmem>>, vector<16xf32>,
      tpu.vector_store_idx %arg9[%min3A_309, %broadcast_in_dim3A_1], %get3A_320 : memref<50x130xf32, #tpu.memory_space<vmem>>[vector<16xi32>, vector<16xi32>], vector<16xf32>,
      tpu.vector_store_idx %arg9[%min3A_309, %broadcast_in_dim3A_3], %get3A_324 : memref<50x130xf32, #tpu.memory_space<vmem>>[vector<16xi32>, vector<16xi32>], vector<16xf32>,
      %add3A_325 = arith.constant 144 : i32
      %add3A_326 = vector.broadcast %add3A_325 : i32 to vector<16xi32>
      %add3A_327 = arith.addi %iota3A, %add3A_326 : vector<16xi32>
      %sub3A_328 = arith.constant 100 : i32
      %sub3A_329 = vector.broadcast %sub3A_328 : i32 to vector<16xi32>
      %sub3A_330 = arith.subi %add3A_327, %sub3A_329 : vector<16xi32>
      %jit3A_331 = arith.constant 0 : i32
      %jit3A_332 = arith.constant 49 : i32
      %max3A_333 = vector.broadcast %jit3A_331 : i32 to vector<16xi32>
      %max3A_334 = arith.maxsi %max3A_333, %sub3A_330 : vector<16xi32>
      %min3A_335 = vector.broadcast %jit3A_332 : i32 to vector<16xi32>
      %min3A_336 = arith.minsi %min3A_335, %max3A_334 : vector<16xi32>
      %ge3A_337 = arith.constant 0 : i32
      %ge3A_338 = vector.broadcast %ge3A_337 : i32 to vector<16xi32>
      %ge3A_339 = arith.cmpi sge, %sub3A_330, %ge3A_338 : vector<16xi32>
      %lt3A_340 = arith.constant 50 : i32
      %lt3A_341 = vector.broadcast %lt3A_340 : i32 to vector<16xi32>
      %lt3A_342 = arith.cmpi slt, %sub3A_330, %lt3A_341 : vector<16xi32>
      %and3A_343 = arith.andi %ge3A_339, %lt3A_342 : vector<16xi1>
      %get3A_344 = arith.constant 0 : i32
      %get3A_345 = arith.index_cast %get3A_344 : i32 to index
      %get3A_346 = arith.constant 144 : index
      %get3A_347 = tpu.vector_load %arg6[%get3A_345, %get3A_346] {strides = array<i32>} : memref<1x256xf32, #tpu.memory_space<vmem>>, vector<16xf32>,
      %get3A_348 = arith.constant 0 : i32
      %get3A_349 = arith.index_cast %get3A_348 : i32 to index
      %get3A_350 = arith.constant 144 : index
      %get3A_351 = tpu.vector_load %arg7[%get3A_349, %get3A_350] {strides = array<i32>} : memref<1x256xf32, #tpu.memory_space<vmem>>, vector<16xf32>,
      tpu.vector_store_idx %arg9[%min3A_336, %broadcast_in_dim3A_1], %get3A_347 masked %and3A_343 : memref<50x130xf32, #tpu.memory_space<vmem>>[vector<16xi32>, vector<16xi32>], vector<16xf32>, vector<16xi1>
      tpu.vector_store_idx %arg9[%min3A_336, %broadcast_in_dim3A_3], %get3A_351 masked %and3A_343 : memref<50x130xf32, #tpu.memory_space<vmem>>[vector<16xi32>, vector<16xi32>], vector<16xf32>, vector<16xi1>
      %scan3A_352 = arith.constant 0 : i32
      %scan3A_353 = arith.constant 50 : i32
      %scan3A_354 = arith.addi %scan3A_352, %scan3A_353 : i32
      %scan3A_355 = arith.constant 1 : i32
      scf.for %scan3A_478 = %scan3A_352 to %scan3A_354 step %scan3A_355  : i32 {
        %mul3A_479 = arith.constant 1 : i32
        %mul3A_480 = arith.muli %scan3A_478, %mul3A_479 : i32
        %add3A_481 = arith.constant 0 : i32
        %add3A_482 = arith.addi %add3A_481, %mul3A_480 : i32
        %add3A_483 = vector.broadcast %add3A_482 : i32 to vector<16xi32>
        %add3A_484 = arith.addi %broadcast_in_dim3A_1, %add3A_483 : vector<16xi32>
        %add3A_485 = arith.constant 100 : i32
        %add3A_486 = arith.addi %add3A_485, %add3A_482 : i32
        %add3A_487 = vector.broadcast %add3A_486 : i32 to vector<16xi32>
        %add3A_488 = arith.addi %broadcast_in_dim3A_1, %add3A_487 : vector<16xi32>
        %add3A_489 = arith.constant 0 : i32
        %add3A_490 = vector.broadcast %add3A_489 : i32 to vector<16xi32>
        %add3A_491 = arith.addi %iota3A, %add3A_490 : vector<16xi32>
        %gather3A = tpu.vector_load_idx %arg8[%add3A_488, %add3A_491] : memref<200x128xf32, #tpu.memory_space<vmem>>[vector<16xi32>, vector<16xi32>], vector<16xf32>,
        %add3A_492 = arith.constant 1 : i32
        %add3A_493 = vector.broadcast %add3A_492 : i32 to vector<16xi32>
        %add3A_494 = arith.addi %iota3A, %add3A_493 : vector<16xi32>
        tpu.vector_store_idx %arg9[%add3A_484, %add3A_494], %gather3A : memref<50x130xf32, #tpu.memory_space<vmem>>[vector<16xi32>, vector<16xi32>], vector<16xf32>,
        %add3A_495 = arith.constant 16 : i32
        %add3A_496 = vector.broadcast %add3A_495 : i32 to vector<16xi32>
        %add3A_497 = arith.addi %iota3A, %add3A_496 : vector<16xi32>
        %gather3A_498 = tpu.vector_load_idx %arg8[%add3A_488, %add3A_497] : memref<200x128xf32, #tpu.memory_space<vmem>>[vector<16xi32>, vector<16xi32>], vector<16xf32>,
        %add3A_499 = arith.constant 17 : i32
        %add3A_500 = vector.broadcast %add3A_499 : i32 to vector<16xi32>
        %add3A_501 = arith.addi %iota3A, %add3A_500 : vector<16xi32>
        tpu.vector_store_idx %arg9[%add3A_484, %add3A_501], %gather3A_498 : memref<50x130xf32, #tpu.memory_space<vmem>>[vector<16xi32>, vector<16xi32>], vector<16xf32>,
        %add3A_502 = arith.constant 32 : i32
        %add3A_503 = vector.broadcast %add3A_502 : i32 to vector<16xi32>
        %add3A_504 = arith.addi %iota3A, %add3A_503 : vector<16xi32>
        %gather3A_505 = tpu.vector_load_idx %arg8[%add3A_488, %add3A_504] : memref<200x128xf32, #tpu.memory_space<vmem>>[vector<16xi32>, vector<16xi32>], vector<16xf32>,
        %add3A_506 = arith.constant 33 : i32
        %add3A_507 = vector.broadcast %add3A_506 : i32 to vector<16xi32>
        %add3A_508 = arith.addi %iota3A, %add3A_507 : vector<16xi32>
        tpu.vector_store_idx %arg9[%add3A_484, %add3A_508], %gather3A_505 : memref<50x130xf32, #tpu.memory_space<vmem>>[vector<16xi32>, vector<16xi32>], vector<16xf32>,
        %add3A_509 = arith.constant 48 : i32
        %add3A_510 = vector.broadcast %add3A_509 : i32 to vector<16xi32>
        %add3A_511 = arith.addi %iota3A, %add3A_510 : vector<16xi32>
        %gather3A_512 = tpu.vector_load_idx %arg8[%add3A_488, %add3A_511] : memref<200x128xf32, #tpu.memory_space<vmem>>[vector<16xi32>, vector<16xi32>], vector<16xf32>,
        %add3A_513 = arith.constant 49 : i32
        %add3A_514 = vector.broadcast %add3A_513 : i32 to vector<16xi32>
        %add3A_515 = arith.addi %iota3A, %add3A_514 : vector<16xi32>
        tpu.vector_store_idx %arg9[%add3A_484, %add3A_515], %gather3A_512 : memref<50x130xf32, #tpu.memory_space<vmem>>[vector<16xi32>, vector<16xi32>], vector<16xf32>,
        %add3A_516 = arith.constant 64 : i32
        %add3A_517 = vector.broadcast %add3A_516 : i32 to vector<16xi32>
        %add3A_518 = arith.addi %iota3A, %add3A_517 : vector<16xi32>
        %gather3A_519 = tpu.vector_load_idx %arg8[%add3A_488, %add3A_518] : memref<200x128xf32, #tpu.memory_space<vmem>>[vector<16xi32>, vector<16xi32>], vector<16xf32>,
        %add3A_520 = arith.constant 65 : i32
        %add3A_521 = vector.broadcast %add3A_520 : i32 to vector<16xi32>
        %add3A_522 = arith.addi %iota3A, %add3A_521 : vector<16xi32>
        tpu.vector_store_idx %arg9[%add3A_484, %add3A_522], %gather3A_519 : memref<50x130xf32, #tpu.memory_space<vmem>>[vector<16xi32>, vector<16xi32>], vector<16xf32>,
        %add3A_523 = arith.constant 80 : i32
        %add3A_524 = vector.broadcast %add3A_523 : i32 to vector<16xi32>
        %add3A_525 = arith.addi %iota3A, %add3A_524 : vector<16xi32>
        %gather3A_526 = tpu.vector_load_idx %arg8[%add3A_488, %add3A_525] : memref<200x128xf32, #tpu.memory_space<vmem>>[vector<16xi32>, vector<16xi32>], vector<16xf32>,
        %add3A_527 = arith.constant 81 : i32
        %add3A_528 = vector.broadcast %add3A_527 : i32 to vector<16xi32>
        %add3A_529 = arith.addi %iota3A, %add3A_528 : vector<16xi32>
        tpu.vector_store_idx %arg9[%add3A_484, %add3A_529], %gather3A_526 : memref<50x130xf32, #tpu.memory_space<vmem>>[vector<16xi32>, vector<16xi32>], vector<16xf32>,
        %add3A_530 = arith.constant 96 : i32
        %add3A_531 = vector.broadcast %add3A_530 : i32 to vector<16xi32>
        %add3A_532 = arith.addi %iota3A, %add3A_531 : vector<16xi32>
        %gather3A_533 = tpu.vector_load_idx %arg8[%add3A_488, %add3A_532] : memref<200x128xf32, #tpu.memory_space<vmem>>[vector<16xi32>, vector<16xi32>], vector<16xf32>,
        %add3A_534 = arith.constant 97 : i32
        %add3A_535 = vector.broadcast %add3A_534 : i32 to vector<16xi32>
        %add3A_536 = arith.addi %iota3A, %add3A_535 : vector<16xi32>
        tpu.vector_store_idx %arg9[%add3A_484, %add3A_536], %gather3A_533 : memref<50x130xf32, #tpu.memory_space<vmem>>[vector<16xi32>, vector<16xi32>], vector<16xf32>,
        %add3A_537 = arith.constant 112 : i32
        %add3A_538 = vector.broadcast %add3A_537 : i32 to vector<16xi32>
        %add3A_539 = arith.addi %iota3A, %add3A_538 : vector<16xi32>
        %gather3A_540 = tpu.vector_load_idx %arg8[%add3A_488, %add3A_539] : memref<200x128xf32, #tpu.memory_space<vmem>>[vector<16xi32>, vector<16xi32>], vector<16xf32>,
        %add3A_541 = arith.constant 113 : i32
        %add3A_542 = vector.broadcast %add3A_541 : i32 to vector<16xi32>
        %add3A_543 = arith.addi %iota3A, %add3A_542 : vector<16xi32>
        tpu.vector_store_idx %arg9[%add3A_484, %add3A_543], %gather3A_540 : memref<50x130xf32, #tpu.memory_space<vmem>>[vector<16xi32>, vector<16xi32>], vector<16xf32>,
      }
      %scan3A_356 = arith.constant 50 : i32
      %mul3A_357 = arith.constant 4 : i32
      %mul3A_358 = arith.muli %add3A_15, %mul3A_357 : i32
      %add3A_359 = arith.constant 2 : i32
      %add3A_360 = arith.addi %mul3A_358, %add3A_359 : i32
      "tpu.region"() ({
        %run_scoped3A = tpu.sem_alloc : memref<!tpu.dma_semaphore, #tpu.memory_space<semaphore_mem>>
        %dma_start3A = arith.constant 0 : i32
        %dma_start3A_478 = arith.constant 0 : i32
        %dma_start3A_479 = tpu.memref_slice %arg5[%add3A_360, %dma_start3A, %dma_start3A_478] : memref<4096x50x130xf32, #tpu.memory_space<hbm>> -> memref<1x50x130xf32, #tpu.memory_space<hbm>>
        %dma_start3A_480 = tpu.memref_squeeze %dma_start3A_479 : memref<1x50x130xf32, #tpu.memory_space<hbm>> -> memref<50x130xf32, #tpu.memory_space<hbm>>
        %dma_start3A_481 = arith.constant 0 : i32
        %dma_start3A_482 = arith.constant 0 : i32
        %dma_start3A_483 = tpu.memref_slice %arg5[%add3A_360, %dma_start3A_481, %dma_start3A_482] : memref<4096x50x130xf32, #tpu.memory_space<hbm>> -> memref<1x50x130xf32, #tpu.memory_space<hbm>>
        %dma_start3A_484 = tpu.memref_squeeze %dma_start3A_483 : memref<1x50x130xf32, #tpu.memory_space<hbm>> -> memref<50x130xf32, #tpu.memory_space<hbm>>
        tpu.enqueue_dma source(%arg9 : memref<50x130xf32, #tpu.memory_space<vmem>>) target(%dma_start3A_484 : memref<50x130xf32, #tpu.memory_space<hbm>>) target_semaphore(%run_scoped3A : memref<!tpu.dma_semaphore, #tpu.memory_space<semaphore_mem>>)
        %dma_wait3A = arith.constant 0 : i32
        %dma_wait3A_485 = arith.constant 0 : i32
        %dma_wait3A_486 = tpu.memref_slice %arg5[%add3A_360, %dma_wait3A, %dma_wait3A_485] : memref<4096x50x130xf32, #tpu.memory_space<hbm>> -> memref<1x50x130xf32, #tpu.memory_space<hbm>>
        %dma_wait3A_487 = tpu.memref_squeeze %dma_wait3A_486 : memref<1x50x130xf32, #tpu.memory_space<hbm>> -> memref<50x130xf32, #tpu.memory_space<hbm>>
        %dma_wait3A_488 = arith.constant 0 : i32
        %dma_wait3A_489 = arith.constant 0 : i32
        %dma_wait3A_490 = tpu.memref_slice %arg5[%add3A_360, %dma_wait3A_488, %dma_wait3A_489] : memref<4096x50x130xf32, #tpu.memory_space<hbm>> -> memref<1x50x130xf32, #tpu.memory_space<hbm>>
        %dma_wait3A_491 = tpu.memref_squeeze %dma_wait3A_490 : memref<1x50x130xf32, #tpu.memory_space<hbm>> -> memref<50x130xf32, #tpu.memory_space<hbm>>
        tpu.wait_dma2 semaphore(%run_scoped3A : memref<!tpu.dma_semaphore, #tpu.memory_space<semaphore_mem>>) src(%arg9 : memref<50x130xf32, #tpu.memory_space<vmem>>) dst(%dma_wait3A_491 : memref<50x130xf32, #tpu.memory_space<hbm>>)
        tpu.yield
      }) : () -> ()
      %add3A_361 = arith.constant 144 : i32
      %add3A_362 = vector.broadcast %add3A_361 : i32 to vector<16xi32>
      %add3A_363 = arith.addi %iota3A, %add3A_362 : vector<16xi32>
      %sub3A_364 = arith.constant 150 : i32
      %sub3A_365 = vector.broadcast %sub3A_364 : i32 to vector<16xi32>
      %sub3A_366 = arith.subi %add3A_363, %sub3A_365 : vector<16xi32>
      %jit3A_367 = arith.constant 0 : i32
      %jit3A_368 = arith.constant 49 : i32
      %max3A_369 = vector.broadcast %jit3A_367 : i32 to vector<16xi32>
      %max3A_370 = arith.maxsi %max3A_369, %sub3A_366 : vector<16xi32>
      %min3A_371 = vector.broadcast %jit3A_368 : i32 to vector<16xi32>
      %min3A_372 = arith.minsi %min3A_371, %max3A_370 : vector<16xi32>
      %ge3A_373 = arith.constant 0 : i32
      %ge3A_374 = vector.broadcast %ge3A_373 : i32 to vector<16xi32>
      %ge3A_375 = arith.cmpi sge, %sub3A_366, %ge3A_374 : vector<16xi32>
      %lt3A_376 = arith.constant 50 : i32
      %lt3A_377 = vector.broadcast %lt3A_376 : i32 to vector<16xi32>
      %lt3A_378 = arith.cmpi slt, %sub3A_366, %lt3A_377 : vector<16xi32>
      %and3A_379 = arith.andi %ge3A_375, %lt3A_378 : vector<16xi1>
      %get3A_380 = arith.constant 0 : i32
      %get3A_381 = arith.index_cast %get3A_380 : i32 to index
      %get3A_382 = arith.constant 144 : index
      %get3A_383 = tpu.vector_load %arg6[%get3A_381, %get3A_382] {strides = array<i32>} : memref<1x256xf32, #tpu.memory_space<vmem>>, vector<16xf32>,
      %get3A_384 = arith.constant 0 : i32
      %get3A_385 = arith.index_cast %get3A_384 : i32 to index
      %get3A_386 = arith.constant 144 : index
      %get3A_387 = tpu.vector_load %arg7[%get3A_385, %get3A_386] {strides = array<i32>} : memref<1x256xf32, #tpu.memory_space<vmem>>, vector<16xf32>,
      tpu.vector_store_idx %arg9[%min3A_372, %broadcast_in_dim3A_1], %get3A_383 masked %and3A_379 : memref<50x130xf32, #tpu.memory_space<vmem>>[vector<16xi32>, vector<16xi32>], vector<16xf32>, vector<16xi1>
      tpu.vector_store_idx %arg9[%min3A_372, %broadcast_in_dim3A_3], %get3A_387 masked %and3A_379 : memref<50x130xf32, #tpu.memory_space<vmem>>[vector<16xi32>, vector<16xi32>], vector<16xf32>, vector<16xi1>
      %add3A_388 = arith.constant 160 : i32
      %add3A_389 = vector.broadcast %add3A_388 : i32 to vector<16xi32>
      %add3A_390 = arith.addi %iota3A, %add3A_389 : vector<16xi32>
      %sub3A_391 = arith.constant 150 : i32
      %sub3A_392 = vector.broadcast %sub3A_391 : i32 to vector<16xi32>
      %sub3A_393 = arith.subi %add3A_390, %sub3A_392 : vector<16xi32>
      %jit3A_394 = arith.constant 0 : i32
      %jit3A_395 = arith.constant 49 : i32
      %max3A_396 = vector.broadcast %jit3A_394 : i32 to vector<16xi32>
      %max3A_397 = arith.maxsi %max3A_396, %sub3A_393 : vector<16xi32>
      %min3A_398 = vector.broadcast %jit3A_395 : i32 to vector<16xi32>
      %min3A_399 = arith.minsi %min3A_398, %max3A_397 : vector<16xi32>
      %ge3A_400 = arith.constant 0 : i32
      %ge3A_401 = vector.broadcast %ge3A_400 : i32 to vector<16xi32>
      %ge3A_402 = arith.cmpi sge, %sub3A_393, %ge3A_401 : vector<16xi32>
      %lt3A_403 = arith.constant 50 : i32
      %lt3A_404 = vector.broadcast %lt3A_403 : i32 to vector<16xi32>
      %lt3A_405 = arith.cmpi slt, %sub3A_393, %lt3A_404 : vector<16xi32>
      %and3A_406 = arith.andi %ge3A_402, %lt3A_405 : vector<16xi1>
      %get3A_407 = arith.constant 0 : i32
      %get3A_408 = arith.index_cast %get3A_407 : i32 to index
      %get3A_409 = arith.constant 160 : index
      %get3A_410 = tpu.vector_load %arg6[%get3A_408, %get3A_409] {strides = array<i32>} : memref<1x256xf32, #tpu.memory_space<vmem>>, vector<16xf32>,
      %get3A_411 = arith.constant 0 : i32
      %get3A_412 = arith.index_cast %get3A_411 : i32 to index
      %get3A_413 = arith.constant 160 : index
      %get3A_414 = tpu.vector_load %arg7[%get3A_412, %get3A_413] {strides = array<i32>} : memref<1x256xf32, #tpu.memory_space<vmem>>, vector<16xf32>,
      tpu.vector_store_idx %arg9[%min3A_399, %broadcast_in_dim3A_1], %get3A_410 : memref<50x130xf32, #tpu.memory_space<vmem>>[vector<16xi32>, vector<16xi32>], vector<16xf32>,
      tpu.vector_store_idx %arg9[%min3A_399, %broadcast_in_dim3A_3], %get3A_414 : memref<50x130xf32, #tpu.memory_space<vmem>>[vector<16xi32>, vector<16xi32>], vector<16xf32>,
      %add3A_415 = arith.constant 176 : i32
      %add3A_416 = vector.broadcast %add3A_415 : i32 to vector<16xi32>
      %add3A_417 = arith.addi %iota3A, %add3A_416 : vector<16xi32>
      %sub3A_418 = arith.constant 150 : i32
      %sub3A_419 = vector.broadcast %sub3A_418 : i32 to vector<16xi32>
      %sub3A_420 = arith.subi %add3A_417, %sub3A_419 : vector<16xi32>
      %jit3A_421 = arith.constant 0 : i32
      %jit3A_422 = arith.constant 49 : i32
      %max3A_423 = vector.broadcast %jit3A_421 : i32 to vector<16xi32>
      %max3A_424 = arith.maxsi %max3A_423, %sub3A_420 : vector<16xi32>
      %min3A_425 = vector.broadcast %jit3A_422 : i32 to vector<16xi32>
      %min3A_426 = arith.minsi %min3A_425, %max3A_424 : vector<16xi32>
      %ge3A_427 = arith.constant 0 : i32
      %ge3A_428 = vector.broadcast %ge3A_427 : i32 to vector<16xi32>
      %ge3A_429 = arith.cmpi sge, %sub3A_420, %ge3A_428 : vector<16xi32>
      %lt3A_430 = arith.constant 50 : i32
      %lt3A_431 = vector.broadcast %lt3A_430 : i32 to vector<16xi32>
      %lt3A_432 = arith.cmpi slt, %sub3A_420, %lt3A_431 : vector<16xi32>
      %and3A_433 = arith.andi %ge3A_429, %lt3A_432 : vector<16xi1>
      %get3A_434 = arith.constant 0 : i32
      %get3A_435 = arith.index_cast %get3A_434 : i32 to index
      %get3A_436 = arith.constant 176 : index
      %get3A_437 = tpu.vector_load %arg6[%get3A_435, %get3A_436] {strides = array<i32>} : memref<1x256xf32, #tpu.memory_space<vmem>>, vector<16xf32>,
      %get3A_438 = arith.constant 0 : i32
      %get3A_439 = arith.index_cast %get3A_438 : i32 to index
      %get3A_440 = arith.constant 176 : index
      %get3A_441 = tpu.vector_load %arg7[%get3A_439, %get3A_440] {strides = array<i32>} : memref<1x256xf32, #tpu.memory_space<vmem>>, vector<16xf32>,
      tpu.vector_store_idx %arg9[%min3A_426, %broadcast_in_dim3A_1], %get3A_437 : memref<50x130xf32, #tpu.memory_space<vmem>>[vector<16xi32>, vector<16xi32>], vector<16xf32>,
      tpu.vector_store_idx %arg9[%min3A_426, %broadcast_in_dim3A_3], %get3A_441 : memref<50x130xf32, #tpu.memory_space<vmem>>[vector<16xi32>, vector<16xi32>], vector<16xf32>,
      %add3A_442 = arith.constant 192 : i32
      %add3A_443 = vector.broadcast %add3A_442 : i32 to vector<16xi32>
      %add3A_444 = arith.addi %iota3A, %add3A_443 : vector<16xi32>
      %sub3A_445 = arith.constant 150 : i32
      %sub3A_446 = vector.broadcast %sub3A_445 : i32 to vector<16xi32>
      %sub3A_447 = arith.subi %add3A_444, %sub3A_446 : vector<16xi32>
      %jit3A_448 = arith.constant 0 : i32
      %jit3A_449 = arith.constant 49 : i32
      %max3A_450 = vector.broadcast %jit3A_448 : i32 to vector<16xi32>
      %max3A_451 = arith.maxsi %max3A_450, %sub3A_447 : vector<16xi32>
      %min3A_452 = vector.broadcast %jit3A_449 : i32 to vector<16xi32>
      %min3A_453 = arith.minsi %min3A_452, %max3A_451 : vector<16xi32>
      %ge3A_454 = arith.constant 0 : i32
      %ge3A_455 = vector.broadcast %ge3A_454 : i32 to vector<16xi32>
      %ge3A_456 = arith.cmpi sge, %sub3A_447, %ge3A_455 : vector<16xi32>
      %lt3A_457 = arith.constant 50 : i32
      %lt3A_458 = vector.broadcast %lt3A_457 : i32 to vector<16xi32>
      %lt3A_459 = arith.cmpi slt, %sub3A_447, %lt3A_458 : vector<16xi32>
      %and3A_460 = arith.andi %ge3A_456, %lt3A_459 : vector<16xi1>
      %get3A_461 = arith.constant 0 : i32
      %get3A_462 = arith.index_cast %get3A_461 : i32 to index
      %get3A_463 = arith.constant 192 : index
      %get3A_464 = tpu.vector_load %arg6[%get3A_462, %get3A_463] {strides = array<i32>} : memref<1x256xf32, #tpu.memory_space<vmem>>, vector<16xf32>,
      %get3A_465 = arith.constant 0 : i32
      %get3A_466 = arith.index_cast %get3A_465 : i32 to index
      %get3A_467 = arith.constant 192 : index
      %get3A_468 = tpu.vector_load %arg7[%get3A_466, %get3A_467] {strides = array<i32>} : memref<1x256xf32, #tpu.memory_space<vmem>>, vector<16xf32>,
      tpu.vector_store_idx %arg9[%min3A_453, %broadcast_in_dim3A_1], %get3A_464 masked %and3A_460 : memref<50x130xf32, #tpu.memory_space<vmem>>[vector<16xi32>, vector<16xi32>], vector<16xf32>, vector<16xi1>
      tpu.vector_store_idx %arg9[%min3A_453, %broadcast_in_dim3A_3], %get3A_468 masked %and3A_460 : memref<50x130xf32, #tpu.memory_space<vmem>>[vector<16xi32>, vector<16xi32>], vector<16xf32>, vector<16xi1>
      %scan3A_469 = arith.constant 0 : i32
      %scan3A_470 = arith.constant 50 : i32
      %scan3A_471 = arith.addi %scan3A_469, %scan3A_470 : i32
      %scan3A_472 = arith.constant 1 : i32
      scf.for %scan3A_478 = %scan3A_469 to %scan3A_471 step %scan3A_472  : i32 {
        %mul3A_479 = arith.constant 1 : i32
        %mul3A_480 = arith.muli %scan3A_478, %mul3A_479 : i32
        %add3A_481 = arith.constant 0 : i32
        %add3A_482 = arith.addi %add3A_481, %mul3A_480 : i32
        %add3A_483 = vector.broadcast %add3A_482 : i32 to vector<16xi32>
        %add3A_484 = arith.addi %broadcast_in_dim3A_1, %add3A_483 : vector<16xi32>
        %add3A_485 = arith.constant 150 : i32
        %add3A_486 = arith.addi %add3A_485, %add3A_482 : i32
        %add3A_487 = vector.broadcast %add3A_486 : i32 to vector<16xi32>
        %add3A_488 = arith.addi %broadcast_in_dim3A_1, %add3A_487 : vector<16xi32>
        %add3A_489 = arith.constant 0 : i32
        %add3A_490 = vector.broadcast %add3A_489 : i32 to vector<16xi32>
        %add3A_491 = arith.addi %iota3A, %add3A_490 : vector<16xi32>
        %gather3A = tpu.vector_load_idx %arg8[%add3A_488, %add3A_491] : memref<200x128xf32, #tpu.memory_space<vmem>>[vector<16xi32>, vector<16xi32>], vector<16xf32>,
        %add3A_492 = arith.constant 1 : i32
        %add3A_493 = vector.broadcast %add3A_492 : i32 to vector<16xi32>
        %add3A_494 = arith.addi %iota3A, %add3A_493 : vector<16xi32>
        tpu.vector_store_idx %arg9[%add3A_484, %add3A_494], %gather3A : memref<50x130xf32, #tpu.memory_space<vmem>>[vector<16xi32>, vector<16xi32>], vector<16xf32>,
        %add3A_495 = arith.constant 16 : i32
        %add3A_496 = vector.broadcast %add3A_495 : i32 to vector<16xi32>
        %add3A_497 = arith.addi %iota3A, %add3A_496 : vector<16xi32>
        %gather3A_498 = tpu.vector_load_idx %arg8[%add3A_488, %add3A_497] : memref<200x128xf32, #tpu.memory_space<vmem>>[vector<16xi32>, vector<16xi32>], vector<16xf32>,
        %add3A_499 = arith.constant 17 : i32
        %add3A_500 = vector.broadcast %add3A_499 : i32 to vector<16xi32>
        %add3A_501 = arith.addi %iota3A, %add3A_500 : vector<16xi32>
        tpu.vector_store_idx %arg9[%add3A_484, %add3A_501], %gather3A_498 : memref<50x130xf32, #tpu.memory_space<vmem>>[vector<16xi32>, vector<16xi32>], vector<16xf32>,
        %add3A_502 = arith.constant 32 : i32
        %add3A_503 = vector.broadcast %add3A_502 : i32 to vector<16xi32>
        %add3A_504 = arith.addi %iota3A, %add3A_503 : vector<16xi32>
        %gather3A_505 = tpu.vector_load_idx %arg8[%add3A_488, %add3A_504] : memref<200x128xf32, #tpu.memory_space<vmem>>[vector<16xi32>, vector<16xi32>], vector<16xf32>,
        %add3A_506 = arith.constant 33 : i32
        %add3A_507 = vector.broadcast %add3A_506 : i32 to vector<16xi32>
        %add3A_508 = arith.addi %iota3A, %add3A_507 : vector<16xi32>
        tpu.vector_store_idx %arg9[%add3A_484, %add3A_508], %gather3A_505 : memref<50x130xf32, #tpu.memory_space<vmem>>[vector<16xi32>, vector<16xi32>], vector<16xf32>,
        %add3A_509 = arith.constant 48 : i32
        %add3A_510 = vector.broadcast %add3A_509 : i32 to vector<16xi32>
        %add3A_511 = arith.addi %iota3A, %add3A_510 : vector<16xi32>
        %gather3A_512 = tpu.vector_load_idx %arg8[%add3A_488, %add3A_511] : memref<200x128xf32, #tpu.memory_space<vmem>>[vector<16xi32>, vector<16xi32>], vector<16xf32>,
        %add3A_513 = arith.constant 49 : i32
        %add3A_514 = vector.broadcast %add3A_513 : i32 to vector<16xi32>
        %add3A_515 = arith.addi %iota3A, %add3A_514 : vector<16xi32>
        tpu.vector_store_idx %arg9[%add3A_484, %add3A_515], %gather3A_512 : memref<50x130xf32, #tpu.memory_space<vmem>>[vector<16xi32>, vector<16xi32>], vector<16xf32>,
        %add3A_516 = arith.constant 64 : i32
        %add3A_517 = vector.broadcast %add3A_516 : i32 to vector<16xi32>
        %add3A_518 = arith.addi %iota3A, %add3A_517 : vector<16xi32>
        %gather3A_519 = tpu.vector_load_idx %arg8[%add3A_488, %add3A_518] : memref<200x128xf32, #tpu.memory_space<vmem>>[vector<16xi32>, vector<16xi32>], vector<16xf32>,
        %add3A_520 = arith.constant 65 : i32
        %add3A_521 = vector.broadcast %add3A_520 : i32 to vector<16xi32>
        %add3A_522 = arith.addi %iota3A, %add3A_521 : vector<16xi32>
        tpu.vector_store_idx %arg9[%add3A_484, %add3A_522], %gather3A_519 : memref<50x130xf32, #tpu.memory_space<vmem>>[vector<16xi32>, vector<16xi32>], vector<16xf32>,
        %add3A_523 = arith.constant 80 : i32
        %add3A_524 = vector.broadcast %add3A_523 : i32 to vector<16xi32>
        %add3A_525 = arith.addi %iota3A, %add3A_524 : vector<16xi32>
        %gather3A_526 = tpu.vector_load_idx %arg8[%add3A_488, %add3A_525] : memref<200x128xf32, #tpu.memory_space<vmem>>[vector<16xi32>, vector<16xi32>], vector<16xf32>,
        %add3A_527 = arith.constant 81 : i32
        %add3A_528 = vector.broadcast %add3A_527 : i32 to vector<16xi32>
        %add3A_529 = arith.addi %iota3A, %add3A_528 : vector<16xi32>
        tpu.vector_store_idx %arg9[%add3A_484, %add3A_529], %gather3A_526 : memref<50x130xf32, #tpu.memory_space<vmem>>[vector<16xi32>, vector<16xi32>], vector<16xf32>,
        %add3A_530 = arith.constant 96 : i32
        %add3A_531 = vector.broadcast %add3A_530 : i32 to vector<16xi32>
        %add3A_532 = arith.addi %iota3A, %add3A_531 : vector<16xi32>
        %gather3A_533 = tpu.vector_load_idx %arg8[%add3A_488, %add3A_532] : memref<200x128xf32, #tpu.memory_space<vmem>>[vector<16xi32>, vector<16xi32>], vector<16xf32>,
        %add3A_534 = arith.constant 97 : i32
        %add3A_535 = vector.broadcast %add3A_534 : i32 to vector<16xi32>
        %add3A_536 = arith.addi %iota3A, %add3A_535 : vector<16xi32>
        tpu.vector_store_idx %arg9[%add3A_484, %add3A_536], %gather3A_533 : memref<50x130xf32, #tpu.memory_space<vmem>>[vector<16xi32>, vector<16xi32>], vector<16xf32>,
        %add3A_537 = arith.constant 112 : i32
        %add3A_538 = vector.broadcast %add3A_537 : i32 to vector<16xi32>
        %add3A_539 = arith.addi %iota3A, %add3A_538 : vector<16xi32>
        %gather3A_540 = tpu.vector_load_idx %arg8[%add3A_488, %add3A_539] : memref<200x128xf32, #tpu.memory_space<vmem>>[vector<16xi32>, vector<16xi32>], vector<16xf32>,
        %add3A_541 = arith.constant 113 : i32
        %add3A_542 = vector.broadcast %add3A_541 : i32 to vector<16xi32>
        %add3A_543 = arith.addi %iota3A, %add3A_542 : vector<16xi32>
        tpu.vector_store_idx %arg9[%add3A_484, %add3A_543], %gather3A_540 : memref<50x130xf32, #tpu.memory_space<vmem>>[vector<16xi32>, vector<16xi32>], vector<16xf32>,
      }
      %scan3A_473 = arith.constant 50 : i32
      %mul3A_474 = arith.constant 4 : i32
      %mul3A_475 = arith.muli %add3A_15, %mul3A_474 : i32
      %add3A_476 = arith.constant 3 : i32
      %add3A_477 = arith.addi %mul3A_475, %add3A_476 : i32
      "tpu.region"() ({
        %run_scoped3A = tpu.sem_alloc : memref<!tpu.dma_semaphore, #tpu.memory_space<semaphore_mem>>
        %dma_start3A = arith.constant 0 : i32
        %dma_start3A_478 = arith.constant 0 : i32
        %dma_start3A_479 = tpu.memref_slice %arg5[%add3A_477, %dma_start3A, %dma_start3A_478] : memref<4096x50x130xf32, #tpu.memory_space<hbm>> -> memref<1x50x130xf32, #tpu.memory_space<hbm>>
        %dma_start3A_480 = tpu.memref_squeeze %dma_start3A_479 : memref<1x50x130xf32, #tpu.memory_space<hbm>> -> memref<50x130xf32, #tpu.memory_space<hbm>>
        %dma_start3A_481 = arith.constant 0 : i32
        %dma_start3A_482 = arith.constant 0 : i32
        %dma_start3A_483 = tpu.memref_slice %arg5[%add3A_477, %dma_start3A_481, %dma_start3A_482] : memref<4096x50x130xf32, #tpu.memory_space<hbm>> -> memref<1x50x130xf32, #tpu.memory_space<hbm>>
        %dma_start3A_484 = tpu.memref_squeeze %dma_start3A_483 : memref<1x50x130xf32, #tpu.memory_space<hbm>> -> memref<50x130xf32, #tpu.memory_space<hbm>>
        tpu.enqueue_dma source(%arg9 : memref<50x130xf32, #tpu.memory_space<vmem>>) target(%dma_start3A_484 : memref<50x130xf32, #tpu.memory_space<hbm>>) target_semaphore(%run_scoped3A : memref<!tpu.dma_semaphore, #tpu.memory_space<semaphore_mem>>)
        %dma_wait3A = arith.constant 0 : i32
        %dma_wait3A_485 = arith.constant 0 : i32
        %dma_wait3A_486 = tpu.memref_slice %arg5[%add3A_477, %dma_wait3A, %dma_wait3A_485] : memref<4096x50x130xf32, #tpu.memory_space<hbm>> -> memref<1x50x130xf32, #tpu.memory_space<hbm>>
        %dma_wait3A_487 = tpu.memref_squeeze %dma_wait3A_486 : memref<1x50x130xf32, #tpu.memory_space<hbm>> -> memref<50x130xf32, #tpu.memory_space<hbm>>
        %dma_wait3A_488 = arith.constant 0 : i32
        %dma_wait3A_489 = arith.constant 0 : i32
        %dma_wait3A_490 = tpu.memref_slice %arg5[%add3A_477, %dma_wait3A_488, %dma_wait3A_489] : memref<4096x50x130xf32, #tpu.memory_space<hbm>> -> memref<1x50x130xf32, #tpu.memory_space<hbm>>
        %dma_wait3A_491 = tpu.memref_squeeze %dma_wait3A_490 : memref<1x50x130xf32, #tpu.memory_space<hbm>> -> memref<50x130xf32, #tpu.memory_space<hbm>>
        tpu.wait_dma2 semaphore(%run_scoped3A : memref<!tpu.dma_semaphore, #tpu.memory_space<semaphore_mem>>) src(%arg9 : memref<50x130xf32, #tpu.memory_space<vmem>>) dst(%dma_wait3A_491 : memref<50x130xf32, #tpu.memory_space<hbm>>)
        tpu.yield
      }) : () -> ()
    }
    %scan3A_7 = arith.constant 32 : i32
    return
  }
}

</mosaic_0001>

<sc_bundles>
// kernel: kernel.4.cloned.1.call-start
scs
__scs_entry_jumppad:
0x0: {  	(pc) =	sbr.rel $0x88, $3  }
0x1: {  	(tag) =	ssettag $0x0;
	lr =	simm.s32 $0x1  }
0x2: {  	[smem:$0x3F9F] =	sst lr;
	_ =	strace $0xD0000000  }
0x3: {  	_ = 	snop  }
0x4: {  	_ = 	snop  }
0x5: {  	_ = 	snop  }
0x6: {  	_ = 	snop  }
0x7: {  	_ = 	snop  }
__scs_overlays_trampoline_lowered:
0x8: {  	[smem:$0x3FAE] =	sst s0  }
0x9: {  	[smem:$0x3FAF] =	sst s1  }
0xa: {  	[smem:$0x3FB0] =	sst s2  }
0xb: {  	[smem:$0x3FB1] =	sst s3  }
0xc: {  	[smem:$0x3FB2] =	sst s4  }
0xd: {  	[smem:$0x3FB3] =	sst s5  }
0xe: {  	[smem:$0x3FB4] =	sst s6  }
0xf: {  	[smem:$0x3FB5] =	sst s7  }
0x10: {  	[smem:$0x3FB6] =	sst s8  }
0x11: {  	[smem:$0x3FB7] =	sst s9;
	s0 =	simm.s32 @!p0 $0x0  }
0x12: {  	s1 =	sld [smem:$0x3F9D];
	s0 =	simm.s32 @p0 $0x1  }
0x13: {  	[smem:$0x3FB8] =	sst s0;
	s0 =	simm.s32 @!p1 $0x0  }
0x14: {  	s2 =	sld [smem:$0x3F9C];
	s0 =	simm.s32 @p1 $0x1  }
0x15: {  	[smem:$0x3FB9] =	sst s0;
	s0 =	simm.s32 @!p2 $0x0  }
0x16: {  	s3 =	sld [smem:$0x3FDB];
	s0 =	simm.s32 @p2 $0x1  }
0x17: {  	s4 =	simm.s32 $0x1BF5;
	[smem:$0x3FBB] =	sst s0  }
0x18: {  	s0 =	sld [smem:$0x3F9E];
	_ =	swait.ge [sflag:s4], $0x0  }
0x19: {  	s7 =	sld [smem:$0x3F9F]  }
0x1a: {  	s8 =	sadd.s32 $0xFFFFE003, lr  }
0x1b: {  	s9 =	sadd.s32 $0xFFFFFEF7, lr;
	s5 =	simm.s32 $0xFFFFFFFF;
	p2 =	slt.u32 s8, $0xFFFFF086  }
0x1c: {  	p1 =	slt.u32 s9, $0xF7A;
	s5 =	simm.s32 @!p2 $0x0  }
0x1d: {  	s5 =	simm.s32 @p1 $0x1;
	p0 =	seq.s32 s7, s2  }
0x1e: {  	s7 =	smul.u32 @!p0 $0xF7A, s2;
	p2 =	seq.s32 @!p0 s5, $0x0  }
0x1f: {  	s9 =	smul.u32 $0xF7A, s1;
	s8 =	simm.s32 @!p0 $0x1BF5;
	p2 =	por !p2, p0  }
0x20: {  	[sflag:s8] =	ssyncset.s32 @!p0 $0xFFFFF086;
	s6 =	sadd.s32 @!p0 s3, s7;
	s7 =	simm.s32 @!p0 $0x108  }
0x21: {  	s3 =	sadd.s32 s3, s9;
	s6 =	sadd.s32 @!p0 $0x88, s6;
	s7 =	simm.s32 @p2 $0x1082  }
0x22: {  	[simem:s7], [sflag:s8] =	dma.local @!p0 [hbm:s6], $0xF7A  }
0x23: {  	s9 =	sor.u32 $0xD0000000, s2;
	s6 =	simm.s32 $0x108;
	_ =	swait.ge @!p0 [sflag:s8], $0x0  }
0x24: {  	s3 =	sadd.s32 $0x88, s3;
	s6 =	simm.s32 @!p1 $0x1082;
	[sflag:s4] =	ssyncset.s32 $0xFFFFF086  }
0x25: {  	[simem:s6], [sflag:s4] =	dma.local [hbm:s3], $0xF7A  }
0x26: {  	[smem:$0x3F9F] =	sst s1;
	(tag) =	ssettag s2;
	_ =	strace s9  }
0x27: {  	s1 =	sld [smem:$0x3FAF]  }
0x28: {  	s2 =	sld [smem:$0x3FB0]  }
0x29: {  	s4 =	sld [smem:$0x3FB2]  }
0x2a: {  	p0 =	seq.s32 s5, $0x0;
	s5 =	sld [smem:$0x3FB3]  }
0x2b: {  	s6 =	sld [smem:$0x3FB4]  }
0x2c: {  	s7 =	sld [smem:$0x3FB5]  }
0x2d: {  	s3 =	simm.s32 $0x108;
	s8 =	sld [smem:$0x3FB6]  }
0x2e: {  	s3 =	simm.s32 @!p0 $0x1082;
	s9 =	sld [smem:$0x3FB7]  }
0x2f: {  	lr =	sadd.s32 s0, s3;
	s0 =	sld [smem:$0x3FAE]  }
0x30: {  	s3 =	sld [smem:$0x3FB1]  }
0x31: {  	[smem:$0x3FBA] =	sst s10  }
0x32: {  	s10 =	sld [smem:$0x3FB8];
	_ =	sdelay $0x3  }
0x33: {  	p0 =	seq.s32 s10, $0x1;
	s10 =	sld [smem:$0x3FBA];
	_ =	sdelay $0x3  }
0x34: {  	[smem:$0x3FBA] =	sst s10  }
0x35: {  	s10 =	sld [smem:$0x3FB9];
	_ =	sdelay $0x3  }
0x36: {  	p1 =	seq.s32 s10, $0x1;
	s10 =	sld [smem:$0x3FBA];
	_ =	sdelay $0x3  }
0x37: {  	[smem:$0x3FBA] =	sst s10  }
0x38: {  	s10 =	sld [smem:$0x3FBB]  }
0x39: {  	_ = 	snop;
	(pc) =	sbr.ind lr, $3  }
0x3a: {  	_ = 	snop  }
0x3b: {  	_ = 	snop  }
0x3c: {  	p2 =	seq.s32 s10, $0x1;
	s10 =	sld [smem:$0x3FBA]  }
0x3d: {  	_ =	shalt  }
0x3e: {  	_ =	shalt  }
0x3f: {  	_ =	shalt  }
0x40: {  	_ =	shalt  }
0x41: {  	_ =	shalt  }
0x42: {  	_ =	shalt  }
0x43: {  	_ =	shalt  }
0x44: {  	_ =	shalt  }
0x45: {  	_ =	shalt  }
0x46: {  	_ =	shalt  }
0x47: {  	_ =	shalt  }
0x48: {  	_ =	shalt  }
0x49: {  	_ =	shalt  }
0x4a: {  	_ =	shalt  }
0x4b: {  	_ =	shalt  }
0x4c: {  	_ =	shalt  }
0x4d: {  	_ =	shalt  }
0x4e: {  	_ =	shalt  }
0x4f: {  	_ =	shalt  }
0x50: {  	_ =	shalt  }
0x51: {  	_ =	shalt  }
0x52: {  	_ =	shalt  }
0x53: {  	_ =	shalt  }
0x54: {  	_ =	shalt  }
0x55: {  	_ =	shalt  }
0x56: {  	_ =	shalt  }
0x57: {  	_ =	shalt  }
0x58: {  	_ =	shalt  }
0x59: {  	_ =	shalt  }
0x5a: {  	_ =	shalt  }
0x5b: {  	_ =	shalt  }
0x5c: {  	_ =	shalt  }
0x5d: {  	_ =	shalt  }
0x5e: {  	_ =	shalt  }
0x5f: {  	_ =	shalt  }
0x60: {  	_ =	shalt  }
0x61: {  	_ =	shalt  }
0x62: {  	_ =	shalt  }
0x63: {  	_ =	shalt  }
0x64: {  	_ =	shalt  }
0x65: {  	_ =	shalt  }
0x66: {  	_ =	shalt  }
0x67: {  	_ =	shalt  }
0x68: {  	_ =	shalt  }
0x69: {  	_ =	shalt  }
0x6a: {  	_ =	shalt  }
0x6b: {  	_ =	shalt  }
0x6c: {  	_ =	shalt  }
0x6d: {  	_ =	shalt  }
0x6e: {  	_ =	shalt  }
0x6f: {  	_ =	shalt  }
0x70: {  	_ =	shalt  }
0x71: {  	_ =	shalt  }
0x72: {  	_ =	shalt  }
0x73: {  	_ =	shalt  }
0x74: {  	_ =	shalt  }
0x75: {  	_ =	shalt  }
0x76: {  	_ =	shalt  }
0x77: {  	_ =	shalt  }
0x78: {  	_ =	shalt  }
0x79: {  	_ =	shalt  }
0x7a: {  	_ =	shalt  }
0x7b: {  	_ =	shalt  }
0x7c: {  	_ =	shalt  }
0x7d: {  	_ =	shalt  }
0x7e: {  	_ =	shalt  }
0x7f: {  	_ =	shalt  }
0x80: {  	_ =	shalt  }
0x81: {  	_ =	shalt  }
0x82: {  	_ =	shalt  }
0x83: {  	_ =	shalt  }
0x84: {  	_ =	shalt  }
0x85: {  	_ =	shalt  }
0x86: {  	_ =	shalt  }
0x87: {  	_ =	shalt  }
.Lfunc_end0:
.L_simem_size_0:
called_computation_lowered:
.L_overlay_start_0:
0x88: {  	s2 =	sld [smem:$0x3FD9]  }
0x89: {  	s3 =	sld [smem:$0x3FFE];
	_ =	sdelay $0x1  }
0x8a: {  	s1 =	srdreg.scid  }
0x8b: {  	s0 =	sand.u32 $0x1, s1  }
0x8c: {  	s17 =	sshll.u32 s0, $0xA;
	s2 =	sadd.s32 s3, s2  }
0x8d: {  	s2 =	sadd.s32 s2, s17  }
0x8e: {  	[smem:$0x3FC6] =	sst s2  }
0x8f: {  	_ = 	snop  }
0x90: {  	s2 =	sld [smem:$0x3FC8]  }
0x91: {  	s18 =	sld [smem:$0x3FD0];
	(tm) =	ssettm $0x1  }
0x92: {  	s4 =	sld [smem:$0x3FFB];
	_ =	sdelay $0x3  }
0x93: {  	_ =	strace s4  }
0x94: {  	s4 =	sld [smem:$0x3FFC];
	_ =	sdelay $0x3  }
0x95: {  	_ =	strace s4  }
0x96: {  	s4 =	sld [smem:$0x3FFD];
	_ =	sdelay $0x3  }
0x97: {  	_ =	strace s4  }
0x98: {  	_ =	strace $0x8FFFFFFF  }
0x99: {  	s19 =	sld [smem:$0x3FDB];
	_ =	sdelay $0x1  }
0x9a: {  	s5 =	simm.s32 $_scs_section_size  }
0x9b: {  	s6 =	simm.s32 $_size__tile_overlayer_lowered;
	s7 =	simm.s32 $_tile_overlayer_lowered  }
0x9c: {  	s22 =	simm.s32 $0x1BFF;
	s21 =	sshll.u32 s7, $0x1;
	s4 =	sadd.s32 s5, s19  }
0x9d: {  	s8 =	simm.s32 $0x0;
	s20 =	sshll.u32 s6, $0x1;
	s6 =	sadd.s32 s21, s4  }
0x9e: {  	[timem:s8], [sflag:s22] =	dma.local [hbm:s6], s20  }
0x9f: {  	_ =	swait.ge [sflag:s22], s20  }
0xa0: {  	s5 =	ssub.s32 $0x0, s20;
	[sflag:s22] =	ssyncset.done $0x0  }
0xa1: {  	[sflag:s22] =	ssyncadd.s32 s5;
	_ =	sdelay $0x1  }
0xa2: {  	s23 =	simm.s32 $0x1B8B  }
0xa3: {  	_ =	swait.ge [sflag:s23], $0x1  }
0xa4: {  	[sflag:s23] =	ssyncset.done $0x0  }
0xa5: {  	s25 =	simm.s32 $0x1B8E;
	s24 =	sld [smem:$0x3FFE];
	[sflag:s23] =	ssyncadd.s32 $0xFFFFFFFF  }
0xa6: {  	s26 =	simm.s32 $execute0_lowered;
	[smem:$0x3FD2] =	sst s25  }
0xa7: {  	s6 =	sshll.u32 s26, $0x1;
	_ =	strace $0x80000046;
	[dreg:$0x1] =	wrdreg $0xFFFFFFFF  }
0xa8: {  	s28 =	simm.s32 $_size_execute0_lowered;
	s4 =	sadd.s32 s4, s6;
	[dreg:$0x0] =	wrdreg $0x0  }
0xa9: {  	s6 =	sshll.u32 s28, $0x1;
	[dreg:$0x2] =	wrdreg s4  }
0xaa: {  	[dreg:$0x3] =	wrdreg s6  }
0xab: {  	[dreg:$0x4] =	wrdreg $0xC0  }
0xac: {  	_ =	task [dreg:s8], $0x5FFFF  }
0xad: {  	[dreg:$0x1] =	wrdreg $0xFFFFFFFF  }
0xae: {  	[dreg:$0x0] =	wrdreg $0x60  }
0xaf: {  	[dreg:$0x2] =	wrdreg s24  }
0xb0: {  	[dreg:$0x3] =	wrdreg s2  }
0xb1: {  	[dreg:$0x4] =	wrdreg s18  }
0xb2: {  	[dreg:$0x5] =	wrdreg $0x9  }
0xb3: {  	_ =	task.clear_ibuf [dreg:s8], $0x6FFFF;
	_ =	strace $0x90000046  }
0xb4: {  	s29 =	simm.s32 $0x9;
	_ =	strace $0x80000048  }
0xb5: {  	_ =	swait.ge [sflag:s29], $0x1  }
0xb6: {  	[sflag:s29] =	ssyncadd.s32 $0xFFFFFFFF  }
0xb7: {  	_ =	strace $0x90000048  }
0xb8: {  	_ =	sfence  }
0xb9: {  	s30 =	sld [smem:$0x0];
	_ =	sdelay $0x2  }
0xba: {  	s31 =	sshll.u32 s1, $0xD;
	s1 =	sshrl.u32 s1, $0x2  }
0xbb: {  	s3 =	sand.u32 $0x4000, s31;
	s1 =	sadd.s32 s1, s30  }
0xbc: {  	s0 =	sor.u32 s3, s0;
	s1 =	sshll.u32 s1, $0x11  }
0xbd: {  	s0 =	sor.u32 s1, s0  }
0xbe: {  	s0 =	sadd.s32 $0x8F2B, s0  }
0xbf: {  	[sflag:s0] =	ssyncadd.remote.s32 $0x1  }
0xc0: {  	_ =	sfence.sel $0xFFFF  }
0xc1: {  	[dreg:$0x0] =	wrdreg $0xFFFFFFFF;
	(pc) =	sbr.abs _section_cstart, $3  }
0xc2: {  	[dreg:$0x1] =	wrdreg $0xFFFFFFFF  }
0xc3: {  	_ =	task.clear_ibuf [dreg:s8], $0x2FFFF;
	_ =	strace $0x9FFFFFFF  }
0xc4: {  	(tm) =	ssettm $0x7FFFFFFF  }
0xc5: {  	_ =	shalt  }
tec
execute0_lowered:
.L_overlay_start_1:
0x0: {  	(tag) =	ssettag $0x1  }
0x1: {  	s4 =	rddreg [dreg:$0x0]  }
0x2: {  	s2 =	rddreg [dreg:$0x1]  }
0x3: {  	s5 =	rddreg [dreg:$0x2]  }
0x4: {  	s0 =	rddreg [dreg:$0x3];
	s1 =	stileid.u32  }
0x5: {  	s6 =	srdreg.scid;
	s7 =	smul.u32 $0x3200, s1  }
0x6: {  	s3 =	simm.s32 $0x0;
	s6 =	sand.u32 $0x1, s6;
	s10 =	smul.u32 $0x32000, s1  }
0x7: {  	[smem:$0x7FF] =	sst s3;
	s8 =	smul.u32 $0x1900, s6;
	s9 =	ssub.s32 $0x2, s6  }
0x8: {  	_ =	strace $0x80000047;
	s6 =	smul.u32 $0x19000, s6;
	s31 =	sshrl.u32 s9, $0x1  }
0x9: {  	s5 =	sadd.s32 s10, s5;
	s10 =	simm.s32 $0x0;
	s7 =	sadd.s32 s8, s7  }
0xa: {  	s8 =	ssub.s32 s9, s31;
	s5 =	sadd.s32 s6, s5;
	s7 =	sshrl.u32 s7, $0x3  }
0xb: {  	s9 =	simm.s32 $0x1;
	s7 =	sadd.s32 s7, s4;
	s4 =	smax.u32 s8, $0x1  }
0xc: {  	s8 =	simm.s32 $0x80;
	s6 =	sadd.s32 $0xA00, s7;
	s7 =	simm.s32 $0x2  }
.LBB2_1:
0xd: {  	s11 =	sadd.s32 $0x0, s6  }
0xe: {  	[tilespmem:s3], [sflag:$0x2] =	stream.linear.gather [hbm4b:s11+s3], $0x80, $0x38;
	[tilespmem:$0x4080] =	vst v63  }
0xf: {  	_ =	swait.ge [sflag:s7], $0x80  }
0x10: {  	[sflag:s7] =	ssyncset.done $0x0  }
0x11: {  	[sflag:s7] =	ssyncadd.s32 $0xFFFFFF80  }
0x12: {  	[tilespmem:s8], [sflag:$0x1] =	stream.indirect.gather [hbm4b:s2+s8], $0x80, s3, s8, $0xb8;
	[tilespmem:$0x4080] =	vst v63  }
0x13: {  	_ =	swait.ge [sflag:s9], $0x4000  }
0x14: {  	[sflag:s9] =	ssyncset.done $0x0  }
0x15: {  	[sflag:s9] =	ssyncadd.s32 $0xFFFFC000  }
0x16: {  	[hbm4b:s5+s3] =	stream.linear.scatter [tilespmem:s8], [sflag:$0x2], $0x4000, $0x38;
	[tilespmem:$0x4080] =	vst v63  }
0x17: {  	s12 =	simm.s32 $0x10;
	_ =	swait.ge [sflag:s7], $0x4000  }
0x18: {  	s13 =	simm.s32 $0x20;
	s11 =	sadd.s32 $0x800, s5;
	[sflag:s7] =	ssyncset.done $0x0  }
.LBB2_2:
0x19: {  	s14 =	sadd.s32 s12, s6  }
0x1a: {  	[sflag:s7] =	ssyncadd.s32 $0xFFFFC000;
	s12 =	smov.u32 s13;
	s15 =	sadd.s32 $0x10, s13  }
0x1b: {  	[tilespmem:s3], [sflag:$0x2] =	stream.linear.gather [hbm4b:s14+s3], $0x80, $0x38;
	[tilespmem:$0x4080] =	vst v63  }
0x1c: {  	p0 =	sne.s32 s13, $0x310;
	_ =	swait.ge [sflag:s7], $0x80  }
0x1d: {  	[sflag:s7] =	ssyncset.done $0x0  }
0x1e: {  	[sflag:s7] =	ssyncadd.s32 $0xFFFFFF80  }
0x1f: {  	[tilespmem:s8], [sflag:$0x1] =	stream.indirect.gather [hbm4b:s2+s8], $0x80, s3, s8, $0xb8;
	[tilespmem:$0x4080] =	vst v63  }
0x20: {  	_ =	swait.ge [sflag:s9], $0x4000  }
.Ltmp0:
0x21: {  	[sflag:s9] =	ssyncset.done $0x0;
	(pc) =	sbr.rel @p0 .LBB2_2-.Ltmp0, $4  }
0x22: {  	[sflag:s9] =	ssyncadd.s32 $0xFFFFC000  }
0x23: {  	[hbm4b:s11+s3] =	stream.linear.scatter [tilespmem:s8], [sflag:$0x2], $0x4000, $0x38;
	[tilespmem:$0x4080] =	vst v63  }
0x24: {  	_ =	swait.ge [sflag:s7], $0x4000  }
0x25: {  	s13 =	smov.u32 s15;
	s11 =	sadd.s32 $0x800, s11;
	[sflag:s7] =	ssyncset.done $0x0  }
0x26: {  	s12 =	sadd.s32 s12, s6;
	[sflag:s7] =	ssyncadd.s32 $0xFFFFC000  }
0x27: {  	[tilespmem:s3], [sflag:$0x2] =	stream.linear.gather [hbm4b:s12+s3], $0x80, $0x38;
	[tilespmem:$0x4080] =	vst v63  }
0x28: {  	_ =	swait.ge [sflag:s7], $0x80  }
0x29: {  	[sflag:s7] =	ssyncset.done $0x0  }
0x2a: {  	[sflag:s7] =	ssyncadd.s32 $0xFFFFFF80  }
0x2b: {  	[tilespmem:s8], [sflag:$0x1] =	stream.indirect.gather [hbm4b:s2+s8], $0x80, s3, s8, $0xb8;
	[tilespmem:$0x4080] =	vst v63  }
0x2c: {  	s10 =	sadd.s32 $0x1, s10;
	_ =	swait.ge [sflag:s9], $0x4000  }
0x2d: {  	p0 =	sne.s32 s10, s4;
	[sflag:s9] =	ssyncset.done $0x0  }
.Ltmp1:
0x2e: {  	[sflag:s9] =	ssyncadd.s32 $0xFFFFC000;
	(pc) =	sbr.rel @p0 .LBB2_1-.Ltmp1, $4  }
0x2f: {  	[hbm4b:s11+s3] =	stream.linear.scatter [tilespmem:s8], [sflag:$0x2], $0x4000, $0x38;
	[tilespmem:$0x4080] =	vst v63  }
0x30: {  	_ =	swait.ge [sflag:s7], $0x4000  }
0x31: {  	[sflag:s7] =	ssyncset.done $0x0  }
0x32: {  	[sflag:s7] =	ssyncadd.s32 $0xFFFFC000  }
0x33: {  	_ =	sfence.sel $0x180000  }
0x34: {  	[bflag:$0x0] =	sbarrier.arrive $0xFFFF  }
0x35: {  	p0 =	sne.s32 s1, $0x0;
	_ =	strace $0x90000047  }
0x36: {  	s0 =	sadd.s32 @!p0 $0x100000, s0;
	[bflag:$0x2] =	sbarrier.arrive $0xFFFF  }
0x37: {  	[sflag:s0] =	ssyncadd.tile.s32 @!p0 $0x1;
	_ =	shalt  }
.Lfunc_end2:
_tile_overlayer_lowered:
.L_overlay_start_2:
0x38: {  	(tag) =	ssettag $0x2  }
0x39: {  	s0 =	rddreg [dreg:$0x0];
	s2 =	stileid.u32  }
0x3a: {  	s1 =	rddreg [dreg:$0x1];
	p0 =	sne.s32 s2, $0x0  }
0x3b: {  	s3 =	rddreg [dreg:$0x2];
	[bflag:$0x3] =	sbarrier.arrive $0xFFFF;
	s2 =	simm.s32 @!p0 $0x1C02  }
0x3c: {  	[timem:s3], [sflag:s2] =	dma.local @!p0 [hbm:s0], s1  }
0x3d: {  	s0 =	simm.s32 @!p0 $0x2  }
0x3e: {  	_ =	swait.ge @!p0 [sflag:s0], s1  }
0x3f: {  	s1 =	ssub.s32 @!p0 $0x0, s1;
	[sflag:s0] =	ssyncset.done @!p0 $0x0  }
0x40: {  	[sflag:s0] =	ssyncadd.s32 @!p0 s1  }
0x41: {  	[bflag:$0x3] =	sbarrier.arrive $0xFFFF  }
0x42: {  	_ =	shalt  }

// kernel: kernel.7.cloned.1.call-start
scs
__scs_entry_jumppad:
0x0: {  	(pc) =	sbr.rel $0x88, $3  }
0x1: {  	(tag) =	ssettag $0x0;
	lr =	simm.s32 $0x1  }
0x2: {  	[smem:$0x3F9F] =	sst lr;
	_ =	strace $0xD0000000  }
0x3: {  	_ = 	snop  }
0x4: {  	_ = 	snop  }
0x5: {  	_ = 	snop  }
0x6: {  	_ = 	snop  }
0x7: {  	_ = 	snop  }
__scs_overlays_trampoline_lowered:
0x8: {  	[smem:$0x3FAE] =	sst s0  }
0x9: {  	[smem:$0x3FAF] =	sst s1  }
0xa: {  	[smem:$0x3FB0] =	sst s2  }
0xb: {  	[smem:$0x3FB1] =	sst s3  }
0xc: {  	[smem:$0x3FB2] =	sst s4  }
0xd: {  	[smem:$0x3FB3] =	sst s5  }
0xe: {  	[smem:$0x3FB4] =	sst s6  }
0xf: {  	[smem:$0x3FB5] =	sst s7  }
0x10: {  	[smem:$0x3FB6] =	sst s8  }
0x11: {  	[smem:$0x3FB7] =	sst s9;
	s0 =	simm.s32 @!p0 $0x0  }
0x12: {  	s1 =	sld [smem:$0x3F9D];
	s0 =	simm.s32 @p0 $0x1  }
0x13: {  	[smem:$0x3FB8] =	sst s0;
	s0 =	simm.s32 @!p1 $0x0  }
0x14: {  	s2 =	sld [smem:$0x3F9C];
	s0 =	simm.s32 @p1 $0x1  }
0x15: {  	[smem:$0x3FB9] =	sst s0;
	s0 =	simm.s32 @!p2 $0x0  }
0x16: {  	s3 =	sld [smem:$0x3FDB];
	s0 =	simm.s32 @p2 $0x1  }
0x17: {  	s4 =	simm.s32 $0x1BF5;
	[smem:$0x3FBB] =	sst s0  }
0x18: {  	s0 =	sld [smem:$0x3F9E];
	_ =	swait.ge [sflag:s4], $0x0  }
0x19: {  	s7 =	sld [smem:$0x3F9F]  }
0x1a: {  	s8 =	sadd.s32 $0xFFFFE003, lr  }
0x1b: {  	s9 =	sadd.s32 $0xFFFFFEF7, lr;
	s5 =	simm.s32 $0xFFFFFFFF;
	p2 =	slt.u32 s8, $0xFFFFF086  }
0x1c: {  	p1 =	slt.u32 s9, $0xF7A;
	s5 =	simm.s32 @!p2 $0x0  }
0x1d: {  	s5 =	simm.s32 @p1 $0x1;
	p0 =	seq.s32 s7, s2  }
0x1e: {  	s7 =	smul.u32 @!p0 $0xF7A, s2;
	p2 =	seq.s32 @!p0 s5, $0x0  }
0x1f: {  	s9 =	smul.u32 $0xF7A, s1;
	s8 =	simm.s32 @!p0 $0x1BF5;
	p2 =	por !p2, p0  }
0x20: {  	[sflag:s8] =	ssyncset.s32 @!p0 $0xFFFFF086;
	s6 =	sadd.s32 @!p0 s3, s7;
	s7 =	simm.s32 @!p0 $0x108  }
0x21: {  	s3 =	sadd.s32 s3, s9;
	s6 =	sadd.s32 @!p0 $0x88, s6;
	s7 =	simm.s32 @p2 $0x1082  }
0x22: {  	[simem:s7], [sflag:s8] =	dma.local @!p0 [hbm:s6], $0xF7A  }
0x23: {  	s9 =	sor.u32 $0xD0000000, s2;
	s6 =	simm.s32 $0x108;
	_ =	swait.ge @!p0 [sflag:s8], $0x0  }
0x24: {  	s3 =	sadd.s32 $0x88, s3;
	s6 =	simm.s32 @!p1 $0x1082;
	[sflag:s4] =	ssyncset.s32 $0xFFFFF086  }
0x25: {  	[simem:s6], [sflag:s4] =	dma.local [hbm:s3], $0xF7A  }
0x26: {  	[smem:$0x3F9F] =	sst s1;
	(tag) =	ssettag s2;
	_ =	strace s9  }
0x27: {  	s1 =	sld [smem:$0x3FAF]  }
0x28: {  	s2 =	sld [smem:$0x3FB0]  }
0x29: {  	s4 =	sld [smem:$0x3FB2]  }
0x2a: {  	p0 =	seq.s32 s5, $0x0;
	s5 =	sld [smem:$0x3FB3]  }
0x2b: {  	s6 =	sld [smem:$0x3FB4]  }
0x2c: {  	s7 =	sld [smem:$0x3FB5]  }
0x2d: {  	s3 =	simm.s32 $0x108;
	s8 =	sld [smem:$0x3FB6]  }
0x2e: {  	s3 =	simm.s32 @!p0 $0x1082;
	s9 =	sld [smem:$0x3FB7]  }
0x2f: {  	lr =	sadd.s32 s0, s3;
	s0 =	sld [smem:$0x3FAE]  }
0x30: {  	s3 =	sld [smem:$0x3FB1]  }
0x31: {  	[smem:$0x3FBA] =	sst s10  }
0x32: {  	s10 =	sld [smem:$0x3FB8];
	_ =	sdelay $0x3  }
0x33: {  	p0 =	seq.s32 s10, $0x1;
	s10 =	sld [smem:$0x3FBA];
	_ =	sdelay $0x3  }
0x34: {  	[smem:$0x3FBA] =	sst s10  }
0x35: {  	s10 =	sld [smem:$0x3FB9];
	_ =	sdelay $0x3  }
0x36: {  	p1 =	seq.s32 s10, $0x1;
	s10 =	sld [smem:$0x3FBA];
	_ =	sdelay $0x3  }
0x37: {  	[smem:$0x3FBA] =	sst s10  }
0x38: {  	s10 =	sld [smem:$0x3FBB]  }
0x39: {  	_ = 	snop;
	(pc) =	sbr.ind lr, $3  }
0x3a: {  	_ = 	snop  }
0x3b: {  	_ = 	snop  }
0x3c: {  	p2 =	seq.s32 s10, $0x1;
	s10 =	sld [smem:$0x3FBA]  }
0x3d: {  	_ =	shalt  }
0x3e: {  	_ =	shalt  }
0x3f: {  	_ =	shalt  }
0x40: {  	_ =	shalt  }
0x41: {  	_ =	shalt  }
0x42: {  	_ =	shalt  }
0x43: {  	_ =	shalt  }
0x44: {  	_ =	shalt  }
0x45: {  	_ =	shalt  }
0x46: {  	_ =	shalt  }
0x47: {  	_ =	shalt  }
0x48: {  	_ =	shalt  }
0x49: {  	_ =	shalt  }
0x4a: {  	_ =	shalt  }
0x4b: {  	_ =	shalt  }
0x4c: {  	_ =	shalt  }
0x4d: {  	_ =	shalt  }
0x4e: {  	_ =	shalt  }
0x4f: {  	_ =	shalt  }
0x50: {  	_ =	shalt  }
0x51: {  	_ =	shalt  }
0x52: {  	_ =	shalt  }
0x53: {  	_ =	shalt  }
0x54: {  	_ =	shalt  }
0x55: {  	_ =	shalt  }
0x56: {  	_ =	shalt  }
0x57: {  	_ =	shalt  }
0x58: {  	_ =	shalt  }
0x59: {  	_ =	shalt  }
0x5a: {  	_ =	shalt  }
0x5b: {  	_ =	shalt  }
0x5c: {  	_ =	shalt  }
0x5d: {  	_ =	shalt  }
0x5e: {  	_ =	shalt  }
0x5f: {  	_ =	shalt  }
0x60: {  	_ =	shalt  }
0x61: {  	_ =	shalt  }
0x62: {  	_ =	shalt  }
0x63: {  	_ =	shalt  }
0x64: {  	_ =	shalt  }
0x65: {  	_ =	shalt  }
0x66: {  	_ =	shalt  }
0x67: {  	_ =	shalt  }
0x68: {  	_ =	shalt  }
0x69: {  	_ =	shalt  }
0x6a: {  	_ =	shalt  }
0x6b: {  	_ =	shalt  }
0x6c: {  	_ =	shalt  }
0x6d: {  	_ =	shalt  }
0x6e: {  	_ =	shalt  }
0x6f: {  	_ =	shalt  }
0x70: {  	_ =	shalt  }
0x71: {  	_ =	shalt  }
0x72: {  	_ =	shalt  }
0x73: {  	_ =	shalt  }
0x74: {  	_ =	shalt  }
0x75: {  	_ =	shalt  }
0x76: {  	_ =	shalt  }
0x77: {  	_ =	shalt  }
0x78: {  	_ =	shalt  }
0x79: {  	_ =	shalt  }
0x7a: {  	_ =	shalt  }
0x7b: {  	_ =	shalt  }
0x7c: {  	_ =	shalt  }
0x7d: {  	_ =	shalt  }
0x7e: {  	_ =	shalt  }
0x7f: {  	_ =	shalt  }
0x80: {  	_ =	shalt  }
0x81: {  	_ =	shalt  }
0x82: {  	_ =	shalt  }
0x83: {  	_ =	shalt  }
0x84: {  	_ =	shalt  }
0x85: {  	_ =	shalt  }
0x86: {  	_ =	shalt  }
0x87: {  	_ =	shalt  }
.Lfunc_end0:
.L_simem_size_0:
called_computation.1_lowered:
.L_overlay_start_0:
0x88: {  	s2 =	sld [smem:$0x3FD9]  }
0x89: {  	s3 =	sld [smem:$0x3FFE];
	_ =	sdelay $0x1  }
0x8a: {  	s1 =	srdreg.scid  }
0x8b: {  	s0 =	sand.u32 $0x1, s1  }
0x8c: {  	s17 =	sshll.u32 s0, $0xA;
	s2 =	sadd.s32 s3, s2  }
0x8d: {  	s2 =	sadd.s32 s2, s17  }
0x8e: {  	[smem:$0x3FC6] =	sst s2  }
0x8f: {  	_ = 	snop  }
0x90: {  	s2 =	sld [smem:$0x3FD0];
	(tm) =	ssettm $0x1  }
0x91: {  	s18 =	sld [smem:$0x3FFB];
	_ =	sdelay $0x3  }
0x92: {  	_ =	strace s18  }
0x93: {  	s3 =	sld [smem:$0x3FFC];
	_ =	sdelay $0x3  }
0x94: {  	_ =	strace s3  }
0x95: {  	s3 =	sld [smem:$0x3FFD];
	_ =	sdelay $0x3  }
0x96: {  	_ =	strace s3  }
0x97: {  	_ =	strace $0x8FFFFFFF  }
0x98: {  	s19 =	sld [smem:$0x3FDB];
	_ =	sdelay $0x1  }
0x99: {  	s4 =	simm.s32 $_scs_section_size  }
0x9a: {  	s5 =	simm.s32 $_size__tile_overlayer_lowered;
	s6 =	simm.s32 $_tile_overlayer_lowered  }
0x9b: {  	s22 =	simm.s32 $0x1BFF;
	s21 =	sshll.u32 s6, $0x1;
	s3 =	sadd.s32 s4, s19  }
0x9c: {  	s7 =	simm.s32 $0x0;
	s20 =	sshll.u32 s5, $0x1;
	s5 =	sadd.s32 s21, s3  }
0x9d: {  	[timem:s7], [sflag:s22] =	dma.local [hbm:s5], s20  }
0x9e: {  	_ =	swait.ge [sflag:s22], s20  }
0x9f: {  	s4 =	ssub.s32 $0x0, s20;
	[sflag:s22] =	ssyncset.done $0x0  }
0xa0: {  	[sflag:s22] =	ssyncadd.s32 s4;
	_ =	sdelay $0x1  }
0xa1: {  	s23 =	simm.s32 $0x1B8B  }
0xa2: {  	_ =	swait.ge [sflag:s23], $0x1  }
0xa3: {  	[sflag:s23] =	ssyncset.done $0x0  }
0xa4: {  	s25 =	simm.s32 $0x1B8E;
	s24 =	sld [smem:$0x3FFE];
	[sflag:s23] =	ssyncadd.s32 $0xFFFFFFFF  }
0xa5: {  	s26 =	simm.s32 $execute0_lowered;
	[smem:$0x3FD2] =	sst s25  }
0xa6: {  	s5 =	sshll.u32 s26, $0x1;
	_ =	strace $0x80000049;
	[dreg:$0x1] =	wrdreg $0xFFFFFFFF  }
0xa7: {  	s28 =	simm.s32 $_size_execute0_lowered;
	s3 =	sadd.s32 s3, s5;
	[dreg:$0x0] =	wrdreg $0x0  }
0xa8: {  	s5 =	sshll.u32 s28, $0x1;
	[dreg:$0x2] =	wrdreg s3  }
0xa9: {  	[dreg:$0x3] =	wrdreg s5  }
0xaa: {  	[dreg:$0x4] =	wrdreg $0xC0  }
0xab: {  	_ =	task [dreg:s7], $0x5FFFF  }
0xac: {  	[dreg:$0x1] =	wrdreg $0xFFFFFFFF  }
0xad: {  	[dreg:$0x0] =	wrdreg $0x60  }
0xae: {  	[dreg:$0x2] =	wrdreg s2  }
0xaf: {  	[dreg:$0x3] =	wrdreg s24  }
0xb0: {  	[dreg:$0x4] =	wrdreg $0x9  }
0xb1: {  	_ =	task.clear_ibuf [dreg:s7], $0x5FFFF;
	_ =	strace $0x90000049  }
0xb2: {  	s29 =	simm.s32 $0x9;
	_ =	strace $0x8000004B  }
0xb3: {  	_ =	swait.ge [sflag:s29], $0x1  }
0xb4: {  	[sflag:s29] =	ssyncadd.s32 $0xFFFFFFFF  }
0xb5: {  	_ =	strace $0x9000004B  }
0xb6: {  	_ =	sfence  }
0xb7: {  	s30 =	sld [smem:$0x0];
	_ =	sdelay $0x2  }
0xb8: {  	s31 =	sshll.u32 s1, $0xD;
	s1 =	sshrl.u32 s1, $0x2  }
0xb9: {  	s3 =	sand.u32 $0x4000, s31;
	s1 =	sadd.s32 s1, s30  }
0xba: {  	s0 =	sor.u32 s3, s0;
	s1 =	sshll.u32 s1, $0x11  }
0xbb: {  	s0 =	sor.u32 s1, s0  }
0xbc: {  	s0 =	sadd.s32 $0x8F2B, s0  }
0xbd: {  	[sflag:s0] =	ssyncadd.remote.s32 $0x1  }
0xbe: {  	_ =	sfence.sel $0xFFFF  }
0xbf: {  	[dreg:$0x0] =	wrdreg $0xFFFFFFFF;
	(pc) =	sbr.abs _section_cstart, $3  }
0xc0: {  	[dreg:$0x1] =	wrdreg $0xFFFFFFFF  }
0xc1: {  	_ =	task.clear_ibuf [dreg:s7], $0x2FFFF;
	_ =	strace $0x9FFFFFFF  }
0xc2: {  	(tm) =	ssettm $0x7FFFFFFF  }
0xc3: {  	_ =	shalt  }
tec
execute0_lowered:
.L_overlay_start_1:
0x0: {  	(tag) =	ssettag $0x1  }
0x1: {  	v0 =	vimm.s32 $0xB80;
	vm6 =	vcmask $0x300  }
0x2: {  	vm5 =	vcmask $0x704;
	vm4 =	vcmask $0xB08;
	vm3 =	vcmask $0xF0C  }
0x3: {  	vm0 =	vcmask $0x1310;
	vm1 =	vcmask $0x1714;
	vm2 =	vcmask $0x1B18  }
0x4: {  	vm11 =	vcmask $0x1F1C;
	vm10 =	vcmask $0x2320;
	vm9 =	vcmask $0x2724  }
0x5: {  	v1 =	vimm.s32 $0xF81;
	vm7 =	vcmask $0x2B28;
	v3 =	vimm.s32 $0x74737271  }
0x6: {  	vm8 =	vcmask $0xF00;
	v4 =	vimm.s32 $0x7C7B7A79;
	vm14 =	vcmask $0x1F10  }
0x7: {  	v5 =	vimm.s32 $0x7F7E7D;
	vm15 =	vcmask $0x2F20;
	vm12 =	vcmask $0x3B30  }
0x8: {  	vm13 =	vcmask $0xB00;
	v8 =	vimm.s32 $0x2F81;
	v13 =	vimm.s32 $0x1A80  }
0x9: {  	v14 =	vimm.s32 $0x1E81;
	v15 =	vimm.s32 $0x2A80;
	v16 =	vimm.s32 $0x2E81  }
0xa: {  	v17 =	vimm.s32 $0x1980;
	v18 =	vimm.s32 $0x1D81;
	v19 =	vimm.s32 $0x2980  }
0xb: {  	v20 =	vimm.s32 $0x2D81;
	v21 =	vimm.s32 $0x1880;
	v22 =	vimm.s32 $0x1C81  }
0xc: {  	v23 =	vimm.s32 $0x2880;
	v24 =	vimm.s32 $0x2C81;
	v29 =	vimm.s32 $0x3080  }
0xd: {  	v30 =	vimm.s32 $0x3481;
	v0 =	vsel vm6, $0x0, v0;
	v1 =	vsel vm6, $0x401, v1  }
0xe: {  	v4 =	vunpack.c.0.s8.s32 v4;
	v8 =	vsel vm6, $0x2401, v8;
	v13 =	vsel vm6, $0xB00, v13  }
0xf: {  	v14 =	vsel vm6, $0xF01, v14;
	v15 =	vsel vm6, $0x1B00, v15;
	v16 =	vsel vm6, $0x1F01, v16  }
0x10: {  	v17 =	vsel vm6, $0xA00, v17;
	v18 =	vsel vm6, $0xE01, v18;
	v19 =	vsel vm6, $0x1A00, v19  }
0x11: {  	v20 =	vsel vm6, $0x1E01, v20;
	v21 =	vsel vm6, $0x900, v21;
	v22 =	vsel vm6, $0xD01, v22  }
0x12: {  	v23 =	vsel vm6, $0x1900, v23;
	v24 =	vsel vm6, $0x1D01, v24;
	v31 =	vsel vm6, $0x2A00, v29  }
0x13: {  	v32 =	vsel vm6, $0x2E01, v30;
	v0 =	vsel vm5, $0x80, v0;
	v2 =	vsel vm5, $0x481, v1  }
0x14: {  	v8 =	vsel vm5, $0x2481, v8;
	v13 =	vsel vm5, $0xB80, v13;
	v14 =	vsel vm5, $0xF81, v14  }
0x15: {  	v15 =	vsel vm5, $0x1B80, v15;
	v16 =	vsel vm5, $0x1F81, v16;
	v17 =	vsel vm5, $0xA80, v17  }
0x16: {  	v18 =	vsel vm5, $0xE81, v18;
	v19 =	vsel vm5, $0x1A80, v19;
	v20 =	vsel vm5, $0x1E81, v20  }
0x17: {  	v21 =	vsel vm5, $0x980, v21;
	v22 =	vsel vm5, $0xD81, v22;
	v23 =	vsel vm5, $0x1980, v23  }
0x18: {  	v24 =	vsel vm5, $0x1D81, v24;
	v31 =	vsel vm5, $0x2A80, v31;
	v32 =	vsel vm5, $0x2E81, v32  }
0x19: {  	v0 =	vsel vm4, $0x100, v0;
	v8 =	vsel vm4, $0x2501, v8;
	v13 =	vsel vm4, $0x1000, v13  }
0x1a: {  	v14 =	vsel vm4, $0x1401, v14;
	v15 =	vsel vm4, $0x2000, v15;
	v16 =	vsel vm4, $0x2401, v16  }
0x1b: {  	v17 =	vsel vm4, $0xB00, v17;
	v18 =	vsel vm4, $0xF01, v18;
	v19 =	vsel vm4, $0x1B00, v19  }
0x1c: {  	v20 =	vsel vm4, $0x1F01, v20;
	v21 =	vsel vm4, $0xA00, v21;
	v22 =	vsel vm4, $0xE01, v22  }
0x1d: {  	v23 =	vsel vm4, $0x1A00, v23;
	v24 =	vsel vm4, $0x1E01, v24;
	v31 =	vsel vm4, $0x2B00, v31  }
0x1e: {  	v32 =	vsel vm4, $0x2F01, v32;
	v0 =	vsel vm3, $0x180, v0;
	v8 =	vsel vm3, $0x2581, v8  }
0x1f: {  	v13 =	vsel vm3, $0x1080, v13;
	v14 =	vsel vm3, $0x1481, v14;
	v15 =	vsel vm3, $0x2080, v15  }
0x20: {  	v16 =	vsel vm3, $0x2481, v16;
	v17 =	vsel vm3, $0xB80, v17;
	v18 =	vsel vm3, $0xF81, v18  }
0x21: {  	v19 =	vsel vm3, $0x1B80, v19;
	v20 =	vsel vm3, $0x1F81, v20;
	v21 =	vsel vm3, $0xA80, v21  }
0x22: {  	v22 =	vsel vm3, $0xE81, v22;
	v23 =	vsel vm3, $0x1A80, v23;
	v24 =	vsel vm3, $0x1E81, v24  }
0x23: {  	v44 =	vsel vm3, $0x2B80, v31;
	v45 =	vsel vm3, $0x2F81, v32;
	v0 =	vsel vm0, $0x200, v0  }
0x24: {  	v8 =	vsel vm0, $0x2601, v8;
	v13 =	vsel vm0, $0x1100, v13;
	v14 =	vsel vm0, $0x1501, v14  }
0x25: {  	v15 =	vsel vm0, $0x2100, v15;
	v16 =	vsel vm0, $0x2501, v16;
	v17 =	vsel vm0, $0x1000, v17  }
0x26: {  	v18 =	vsel vm0, $0x1401, v18;
	v19 =	vsel vm0, $0x2000, v19;
	v20 =	vsel vm0, $0x2401, v20  }
0x27: {  	v21 =	vsel vm0, $0xB00, v21;
	v22 =	vsel vm0, $0xF01, v22;
	v23 =	vsel vm0, $0x1B00, v23  }
0x28: {  	v24 =	vsel vm0, $0x1F01, v24;
	v44 =	vsel vm0, $0x3000, v44;
	v45 =	vsel vm0, $0x3401, v45  }
0x29: {  	v0 =	vsel vm1, $0x280, v0;
	v8 =	vsel vm1, $0x2681, v8;
	v13 =	vsel vm1, $0x1180, v13  }
0x2a: {  	v14 =	vsel vm1, $0x1581, v14;
	v15 =	vsel vm1, $0x2180, v15;
	v16 =	vsel vm1, $0x2581, v16  }
0x2b: {  	v17 =	vsel vm1, $0x1080, v17;
	v18 =	vsel vm1, $0x1481, v18;
	v19 =	vsel vm1, $0x2080, v19  }
0x2c: {  	v20 =	vsel vm1, $0x2481, v20;
	v21 =	vsel vm1, $0xB80, v21;
	v22 =	vsel vm1, $0xF81, v22  }
0x2d: {  	v23 =	vsel vm1, $0x1B80, v23;
	v24 =	vsel vm1, $0x1F81, v24;
	v0 =	vsel vm2, $0x300, v0  }
0x2e: {  	v8 =	vsel vm2, $0x2701, v8;
	v13 =	vsel vm2, $0x1200, v13;
	v14 =	vsel vm2, $0x1601, v14  }
0x2f: {  	v15 =	vsel vm2, $0x2200, v15;
	v16 =	vsel vm2, $0x2601, v16;
	v17 =	vsel vm2, $0x1100, v17  }
0x30: {  	v18 =	vsel vm2, $0x1501, v18;
	v19 =	vsel vm2, $0x2100, v19;
	v20 =	vsel vm2, $0x2501, v20  }
0x31: {  	v21 =	vsel vm2, $0x1000, v21;
	v22 =	vsel vm2, $0x1401, v22;
	v23 =	vsel vm2, $0x2000, v23  }
0x32: {  	v24 =	vsel vm2, $0x2401, v24;
	v0 =	vsel vm11, $0x380, v0;
	v8 =	vsel vm11, $0x2781, v8  }
0x33: {  	v13 =	vsel vm11, $0x1280, v13;
	v14 =	vsel vm11, $0x1681, v14;
	v15 =	vsel vm11, $0x2280, v15  }
0x34: {  	v16 =	vsel vm11, $0x2681, v16;
	v17 =	vsel vm11, $0x1180, v17;
	v18 =	vsel vm11, $0x1581, v18  }
0x35: {  	v19 =	vsel vm11, $0x2180, v19;
	v20 =	vsel vm11, $0x2581, v20;
	v21 =	vsel vm11, $0x1080, v21  }
0x36: {  	v22 =	vsel vm11, $0x1481, v22;
	v23 =	vsel vm11, $0x2080, v23;
	v24 =	vsel vm11, $0x2481, v24  }
0x37: {  	v0 =	vsel vm10, $0x800, v0;
	v8 =	vsel vm10, $0x2C01, v8;
	v13 =	vsel vm10, $0x1300, v13  }
0x38: {  	v14 =	vsel vm10, $0x1701, v14;
	v15 =	vsel vm10, $0x2300, v15;
	v16 =	vsel vm10, $0x2701, v16  }
0x39: {  	v17 =	vsel vm10, $0x1200, v17;
	v18 =	vsel vm10, $0x1601, v18;
	v19 =	vsel vm10, $0x2200, v19  }
0x3a: {  	v20 =	vsel vm10, $0x2601, v20;
	v21 =	vsel vm10, $0x1100, v21;
	v22 =	vsel vm10, $0x1501, v22  }
0x3b: {  	v23 =	vsel vm10, $0x2100, v23;
	v24 =	vsel vm10, $0x2501, v24;
	v0 =	vsel vm9, $0x880, v0  }
0x3c: {  	v8 =	vsel vm9, $0x2C81, v8;
	v13 =	vsel vm9, $0x1380, v13;
	v14 =	vsel vm9, $0x1781, v14  }
0x3d: {  	v15 =	vsel vm9, $0x2380, v15;
	v16 =	vsel vm9, $0x2781, v16;
	v17 =	vsel vm9, $0x1280, v17  }
0x3e: {  	v18 =	vsel vm9, $0x1681, v18;
	v19 =	vsel vm9, $0x2280, v19;
	v20 =	vsel vm9, $0x2681, v20  }
0x3f: {  	v21 =	vsel vm9, $0x1180, v21;
	v22 =	vsel vm9, $0x1581, v22;
	v23 =	vsel vm9, $0x2180, v23  }
0x40: {  	v24 =	vsel vm9, $0x2581, v24;
	v1 =	vsel vm7, $0x900, v0;
	v0 =	vsel vm4, $0x501, v2  }
0x41: {  	v2 =	vunpack.c.0.s8.s32 v3;
	v3 =	vimm.s32 $0x78777675;
	v8 =	vsel vm7, $0x2D01, v8  }
0x42: {  	v13 =	vsel vm7, $0x1800, v13;
	v14 =	vsel vm7, $0x1C01, v14;
	v15 =	vsel vm7, $0x2800, v15  }
0x43: {  	v16 =	vsel vm7, $0x2C01, v16;
	v17 =	vsel vm7, $0x1300, v17;
	v18 =	vsel vm7, $0x1701, v18  }
0x44: {  	v19 =	vsel vm7, $0x2300, v19;
	v20 =	vsel vm7, $0x2701, v20;
	v21 =	vsel vm7, $0x1200, v21  }
0x45: {  	v22 =	vsel vm7, $0x1601, v22;
	v23 =	vsel vm7, $0x2200, v23;
	v3 =	vunpack.c.0.s8.s32 v3  }
0x46: {  	v24 =	vsel vm7, $0x2601, v24;
	v0 =	vsel vm3, $0x581, v0;
	v2 =	vnsel vm8, $0x400, v2  }
0x47: {  	v2 =	vsel vm14, v3, v2;
	v3 =	vunpack.c.0.s8.s32 v5;
	v5 =	vimm.s32 $0x1B80  }
0x48: {  	vm14 =	vcmask $0x1300;
	v2 =	vsel vm15, v4, v2;
	v4 =	vsel vm0, $0x601, v0  }
0x49: {  	v5 =	vsel vm6, $0x1000, v5;
	vm15 =	vcmask $0x1B00;
	v0 =	vsel vm12, v3, v2  }
0x4a: {  	v2 =	vimm.s32 $0xA80;
	v3 =	vimm.s32 $0xE81;
	v5 =	vsel vm5, $0x1080, v5  }
0x4b: {  	vm12 =	vcmask $0x2F2C;
	v9 =	vsel vm13, $0x0, v2;
	v10 =	vsel vm13, $0x401, v3  }
0x4c: {  	v2 =	vimm.s32 $0x980;
	v3 =	vimm.s32 $0xD81;
	v5 =	vsel vm4, $0x1100, v5  }
0x4d: {  	v1 =	vsel vm12, $0x980, v1;
	vm13 =	vcmask $0x3330;
	v8 =	vsel vm12, $0x2D81, v8  }
0x4e: {  	v13 =	vsel vm12, $0x1880, v13;
	v14 =	vsel vm12, $0x1C81, v14;
	v15 =	vsel vm12, $0x2880, v15  }
0x4f: {  	v16 =	vsel vm12, $0x2C81, v16;
	v17 =	vsel vm12, $0x1380, v17;
	v18 =	vsel vm12, $0x1781, v18  }
0x50: {  	v19 =	vsel vm12, $0x2380, v19;
	v20 =	vsel vm12, $0x2781, v20;
	v21 =	vsel vm12, $0x1280, v21  }
0x51: {  	v22 =	vsel vm12, $0x1681, v22;
	v23 =	vsel vm12, $0x2280, v23;
	v24 =	vsel vm12, $0x2681, v24  }
0x52: {  	v11 =	vsel vm14, $0x0, v2;
	v12 =	vsel vm14, $0x401, v3;
	v2 =	vimm.s32 $0x880  }
0x53: {  	v3 =	vimm.s32 $0xC81;
	v6 =	vsel vm3, $0x1180, v5;
	v9 =	vsel vm3, $0x80, v9  }
0x54: {  	v10 =	vsel vm3, $0x481, v10;
	v1 =	vsel vm13, $0xA00, v1;
	vm14 =	vcmask $0x3734  }
0x55: {  	v8 =	vsel vm13, $0x2E01, v8;
	v13 =	vsel vm13, $0x1900, v13;
	v14 =	vsel vm13, $0x1D01, v14  }
0x56: {  	v15 =	vsel vm13, $0x2900, v15;
	v16 =	vsel vm13, $0x2D01, v16;
	v17 =	vsel vm13, $0x1800, v17  }
0x57: {  	v18 =	vsel vm13, $0x1C01, v18;
	v19 =	vsel vm13, $0x2800, v19;
	v20 =	vsel vm13, $0x2C01, v20  }
0x58: {  	v21 =	vsel vm13, $0x1300, v21;
	v22 =	vsel vm13, $0x1701, v22;
	v23 =	vsel vm13, $0x2300, v23  }
0x59: {  	v24 =	vsel vm13, $0x2701, v24;
	v7 =	vsel vm15, $0x0, v2;
	v5 =	vsel vm15, $0x401, v3  }
0x5a: {  	v2 =	vsel vm1, $0x681, v4;
	v3 =	vsel vm0, $0x1200, v6;
	v4 =	vimm.s32 $0x1F81  }
0x5b: {  	v6 =	vimm.s32 $0x2B80;
	v9 =	vsel vm0, $0x100, v9;
	v10 =	vsel vm0, $0x501, v10  }
0x5c: {  	v11 =	vsel vm1, $0x80, v11;
	v12 =	vsel vm1, $0x481, v12;
	v1 =	vsel vm14, $0xA80, v1  }
0x5d: {  	vm15 =	vcmask $0x3B38;
	v8 =	vsel vm14, $0x2E81, v8;
	v13 =	vsel vm14, $0x1980, v13  }
0x5e: {  	v14 =	vsel vm14, $0x1D81, v14;
	v15 =	vsel vm14, $0x2980, v15;
	v16 =	vsel vm14, $0x2D81, v16  }
0x5f: {  	v17 =	vsel vm14, $0x1880, v17;
	v18 =	vsel vm14, $0x1C81, v18;
	v19 =	vsel vm14, $0x2880, v19  }
0x60: {  	v20 =	vsel vm14, $0x2C81, v20;
	v21 =	vsel vm14, $0x1380, v21;
	v22 =	vsel vm14, $0x1781, v22  }
0x61: {  	v23 =	vsel vm14, $0x2380, v23;
	v24 =	vsel vm14, $0x2781, v24;
	v2 =	vsel vm2, $0x701, v2  }
0x62: {  	v3 =	vsel vm1, $0x1280, v3;
	v4 =	vsel vm6, $0x1401, v4;
	v6 =	vsel vm6, $0x2000, v6  }
0x63: {  	v9 =	vsel vm1, $0x180, v9;
	v10 =	vsel vm1, $0x581, v10;
	v11 =	vsel vm2, $0x100, v11  }
0x64: {  	v12 =	vsel vm2, $0x501, v12;
	v7 =	vsel vm11, $0x80, v7;
	v5 =	vsel vm11, $0x481, v5  }
0x65: {  	v1 =	vsel vm15, $0xB00, v1;
	v21 =	vsel vm15, $0x1800, v21;
	v22 =	vsel vm15, $0x1C01, v22  }
0x66: {  	v23 =	vsel vm15, $0x2800, v23;
	v24 =	vsel vm15, $0x2C01, v24;
	v2 =	vsel vm11, $0x781, v2  }
0x67: {  	v3 =	vsel vm2, $0x1300, v3;
	v4 =	vsel vm5, $0x1481, v4;
	v6 =	vsel vm5, $0x2080, v6  }
0x68: {  	v9 =	vsel vm2, $0x200, v9;
	v10 =	vsel vm2, $0x601, v10;
	v11 =	vsel vm11, $0x180, v11  }
0x69: {  	v12 =	vsel vm11, $0x581, v12;
	v7 =	vsel vm10, $0x100, v7;
	v5 =	vsel vm10, $0x501, v5  }
0x6a: {  	v3 =	vsel vm11, $0x1380, v3;
	v4 =	vsel vm4, $0x1501, v4;
	v6 =	vsel vm4, $0x2100, v6  }
0x6b: {  	v9 =	vsel vm11, $0x280, v9;
	v10 =	vsel vm11, $0x681, v10;
	v2 =	vsel vm10, $0xC01, v2  }
0x6c: {  	v11 =	vsel vm10, $0x200, v11;
	v12 =	vsel vm10, $0x601, v12;
	v7 =	vsel vm9, $0x180, v7  }
0x6d: {  	v5 =	vsel vm9, $0x581, v5;
	v4 =	vsel vm3, $0x1581, v4;
	v6 =	vsel vm3, $0x2180, v6  }
0x6e: {  	v3 =	vsel vm10, $0x1800, v3;
	v9 =	vsel vm10, $0x300, v9;
	v10 =	vsel vm10, $0x701, v10  }
0x6f: {  	v2 =	vsel vm9, $0xC81, v2;
	v11 =	vsel vm9, $0x280, v11;
	v12 =	vsel vm9, $0x681, v12  }
0x70: {  	v7 =	vsel vm7, $0x200, v7;
	v5 =	vsel vm7, $0x601, v5;
	v4 =	vsel vm0, $0x1601, v4  }
0x71: {  	v6 =	vsel vm0, $0x2200, v6;
	v3 =	vsel vm9, $0x1880, v3;
	v9 =	vsel vm9, $0x380, v9  }
0x72: {  	v10 =	vsel vm9, $0x781, v10;
	v2 =	vsel vm7, $0xD01, v2;
	v11 =	vsel vm7, $0x300, v11  }
0x73: {  	v12 =	vsel vm7, $0x701, v12;
	v7 =	vsel vm12, $0x280, v7;
	v5 =	vsel vm12, $0x681, v5  }
0x74: {  	v4 =	vsel vm1, $0x1681, v4;
	v6 =	vsel vm1, $0x2280, v6;
	v3 =	vsel vm7, $0x1900, v3  }
0x75: {  	v9 =	vsel vm7, $0x800, v9;
	v10 =	vsel vm7, $0xC01, v10;
	v2 =	vsel vm12, $0xD81, v2  }
0x76: {  	v11 =	vsel vm12, $0x380, v11;
	v12 =	vsel vm12, $0x781, v12;
	v7 =	vsel vm13, $0x300, v7  }
0x77: {  	v5 =	vsel vm13, $0x701, v5;
	v4 =	vsel vm2, $0x1701, v4;
	v6 =	vsel vm2, $0x2300, v6  }
0x78: {  	v3 =	vsel vm12, $0x1980, v3;
	v9 =	vsel vm12, $0x880, v9;
	v10 =	vsel vm12, $0xC81, v10  }
0x79: {  	v2 =	vsel vm13, $0xE01, v2;
	v11 =	vsel vm13, $0x800, v11;
	v12 =	vsel vm13, $0xC01, v12  }
0x7a: {  	v27 =	vsel vm14, $0x380, v7;
	v28 =	vsel vm14, $0x781, v5;
	v4 =	vsel vm11, $0x1781, v4  }
0x7b: {  	v6 =	vsel vm11, $0x2380, v6;
	v3 =	vsel vm13, $0x1A00, v3;
	v9 =	vsel vm13, $0x900, v9  }
0x7c: {  	v10 =	vsel vm13, $0xD01, v10;
	v2 =	vsel vm14, $0xE81, v2;
	v25 =	vsel vm14, $0x880, v11  }
0x7d: {  	v26 =	vsel vm14, $0xC81, v12;
	v11 =	vsel vm15, $0x2A00, v15;
	v12 =	vsel vm15, $0x2E01, v16  }
0x7e: {  	v15 =	vsel vm15, $0x1900, v17;
	v16 =	vsel vm15, $0x1D01, v18;
	v17 =	vsel vm15, $0x2900, v19  }
0x7f: {  	v18 =	vsel vm15, $0x2D01, v20;
	v19 =	vsel vm15, $0x800, v27;
	v20 =	vsel vm15, $0xC01, v28  }
0x80: {  	v27 =	vsel vm6, $0x2B00, v29;
	v28 =	vsel vm6, $0x2F01, v30;
	v4 =	vsel vm10, $0x1C01, v4  }
0x81: {  	v6 =	vsel vm10, $0x2800, v6;
	v3 =	vsel vm14, $0x1A80, v3;
	v9 =	vsel vm14, $0x980, v9  }
0x82: {  	v10 =	vsel vm14, $0xD81, v10;
	v2 =	vsel vm15, $0xF01, v2;
	v27 =	vsel vm5, $0x2B80, v27  }
0x83: {  	v28 =	vsel vm5, $0x2F81, v28;
	v4 =	vsel vm9, $0x1C81, v4;
	v6 =	vsel vm9, $0x2880, v6  }
0x84: {  	v3 =	vsel vm15, $0x1B00, v3;
	v7 =	vsel vm15, $0xA00, v9;
	v9 =	vsel vm15, $0x1A00, v13  }
0x85: {  	v13 =	vsel vm15, $0x900, v25;
	v25 =	vsel vm6, $0x3000, v29;
	v29 =	vsel vm6, $0x2900, v29  }
0x86: {  	v27 =	vsel vm4, $0x3000, v27;
	v28 =	vsel vm4, $0x3401, v28;
	v4 =	vsel vm7, $0x1D01, v4  }
0x87: {  	v6 =	vsel vm7, $0x2900, v6;
	v29 =	vsel vm5, $0x2980, v29;
	v4 =	vsel vm12, $0x1D81, v4  }
0x88: {  	v6 =	vsel vm12, $0x2980, v6;
	v33 =	vsel vm4, $0x2A00, v29;
	v29 =	vlaneseq.u32  }
0x89: {  	v4 =	vsel vm13, $0x1E01, v4;
	v6 =	vsel vm13, $0x2A00, v6;
	v46 =	vsel vm3, $0x2A80, v33  }
0x8a: {  	v31 =	vor.u32 $0x10, v29;
	v32 =	vadd.s32 $0x11, v29;
	v33 =	vor.u32 $0x20, v29  }
0x8b: {  	v34 =	vadd.s32 $0x21, v29;
	v35 =	vor.u32 $0x30, v29;
	v36 =	vadd.s32 $0x31, v29  }
0x8c: {  	s0 =	rddreg [dreg:$0x0];
	v37 =	vor.u32 $0x40, v29;
	v38 =	vadd.s32 $0x41, v29;
	v6 =	vsel vm14, $0x2A80, v6  }
0x8d: {  	s5 =	rddreg [dreg:$0x1];
	v39 =	vor.u32 $0x50, v29;
	v40 =	vadd.s32 $0x51, v29;
	v5 =	vsel vm15, $0x2B00, v6  }
0x8e: {  	s1 =	rddreg [dreg:$0x2];
	s2 =	simm.s32 $0x0;
	s3 =	srdreg.scid;
	v6 =	vsel vm15, $0x2F01, v8;
	v8 =	vsel vm15, $0xE01, v10;
	v10 =	vsel vm15, $0x1E01, v14  }
0x8f: {  	s10 =	simm.s32 $0x1;
	s11 =	simm.s32 $0x80;
	s12 =	simm.s32 $0x400;
	v14 =	vsel vm15, $0xD01, v26;
	v26 =	vsel vm6, $0x3401, v30;
	v30 =	vsel vm6, $0x2D01, v30  }
0x90: {  	s13 =	simm.s32 $0x100;
	s14 =	simm.s32 $0x6600;
	s15 =	simm.s32 $0x0;
	v41 =	vor.u32 $0x60, v29;
	v42 =	vadd.s32 $0x61, v29;
	v30 =	vsel vm5, $0x2D81, v30  }
0x91: {  	[smem:$0x7FF] =	sst s2;
	s7 =	sand.u32 $0x1, s3;
	s3 =	sadd.s32 $0xEE00, s5;
	v43 =	vor.u32 $0x70, v29;
	v46 =	vsel vm0, $0x2B00, v46;
	v30 =	vsel vm4, $0x2E01, v30  }
0x92: {  	s4 =	sadd.s32 $0x6E00, s5;
	s6 =	sadd.s32 $0x16E00, s5;
	s8 =	ssub.s32 $0x2, s7;
	v4 =	vsel vm14, $0x1E81, v4;
	v46 =	vsel vm1, $0x2B80, v46;
	v47 =	vsel vm3, $0x2E81, v30  }
0x93: {  	s5 =	stileid.u32;
	_ =	strace $0x8000004A;
	s9 =	sshrl.u32 s8, $0x1;
	v4 =	vsel vm15, $0x1F01, v4;
	v46 =	vsel vm2, $0x3000, v46;
	v47 =	vsel vm0, $0x2F01, v47  }
0x94: {  	s31 =	sshll.u32 s5, $0x6;
	s7 =	sshll.u32 s7, $0x5;
	s8 =	ssub.s32 s8, s9;
	v30 =	vadd.s32 $0x1, v29;
	vm0 =	vcmask $0x3F08;
	v47 =	vsel vm1, $0x2F81, v47  }
0x95: {  	s7 =	sor.u32 s7, s31;
	s9 =	simm.s32 $0x200;
	s8 =	smax.u32 s8, $0x1;
	vm1 =	vcmask $0x3F10;
	v47 =	vsel vm2, $0x3401, v47;
	vm2 =	vcmask $0x3F18  }
.LBB2_1:
0x96: {  	s16 =	simm.s32 $0x0  }
.LBB2_2:
0x97: {  	s17 =	sadd.s32 s7, s16  }
0x98: {  	s18 =	smul.u32 $0xC80, s17  }
0x99: {  	s19 =	simm.s32 $0x0  }
0x9a: {  	s20 =	sshll.u32 s16, $0x4;
	s30 =	sshll.u32 s17, $0x5;
	s18 =	sadd.s32 s0, s18  }
0x9b: {  	[tilespmem:s9], [sflag:$0x1] =	stream.linear.gather [hbm4b:s18+s19], $0x6400, $0x38;
	[tilespmem:$0x9E00] =	vst v63  }
0x9c: {  	s20 =	sand.u32 $0x70, s20;
	s18 =	sand.u32 $0x7F00, s30;
	_ =	swait.ge [sflag:s10], $0x6400  }
0x9d: {  	s18 =	sor.u32 s20, s18;
	[sflag:s10] =	ssyncset.done $0x0  }
0x9e: {  	s20 =	sadd.s32 s3, s18;
	[sflag:s10] =	ssyncadd.s32 $0xFFFF9C00  }
0x9f: {  	[tilespmem:s19], [sflag:$0x1] =	stream.strided.gather [hbm4b:s20+s11], $0x100, s12, s11, $0x38;
	[tilespmem:$0x9E00] =	vst v63  }
0xa0: {  	_ =	swait.ge [sflag:s10], $0x100  }
0xa1: {  	[sflag:s10] =	ssyncset.done $0x0  }
0xa2: {  	s18 =	sadd.s32 s4, s18;
	[sflag:s10] =	ssyncadd.s32 $0xFFFFFF00  }
0xa3: {  	[tilespmem:s13], [sflag:$0x1] =	stream.strided.gather [hbm4b:s18+s11], $0x100, s12, s11, $0x38;
	[tilespmem:$0x9E00] =	vst v63  }
0xa4: {  	_ =	swait.ge [sflag:s10], $0x100  }
0xa5: {  	[sflag:s10] =	ssyncset.done $0x0  }
0xa6: {  	[sflag:s10] =	ssyncadd.s32 $0xFFFFFF00  }
0xa7: {  	v48 =	vld [tilespmem:$0x0]  }
0xa8: {  	v49 =	vld [tilespmem:$0x100];
	_ =	sdelay $0x3  }
0xa9: {  	[tilespmem:v1+s14+$0x0] =	vst.idx.msk $0xffff, v48  }
0xaa: {  	[tilespmem:v2+s14+$0x0] =	vst.idx.msk $0xffff, v49  }
0xab: {  	v48 =	vld [tilespmem:$0x10]  }
0xac: {  	v49 =	vld [tilespmem:$0x110];
	_ =	sdelay $0x3  }
0xad: {  	[tilespmem:v3+s14+$0x0] =	vst.idx.msk $0xffff, v48  }
0xae: {  	[tilespmem:v4+s14+$0x0] =	vst.idx.msk $0xffff, v49  }
0xaf: {  	v48 =	vld [tilespmem:$0x20]  }
0xb0: {  	v49 =	vld [tilespmem:$0x120];
	_ =	sdelay $0x3  }
0xb1: {  	[tilespmem:v5+s14+$0x0] =	vst.idx.msk $0xffff, v48  }
0xb2: {  	[tilespmem:v6+s14+$0x0] =	vst.idx.msk $0xffff, v49  }
0xb3: {  	v63 =	vmov s19;
	v48 =	vld [tilespmem:$0x30]  }
0xb4: {  	v51 =	vshll.u32 v63, $0x7;
	v50 =	vld [tilespmem:$0x130]  }
0xb5: {  	v52 =	vor.u32 v29, v51;
	_ =	sdelay $0x1  }
0xb6: {  	v49 =	vshll.u32 v63, $0x8  }
0xb7: {  	v57 =	vand.u32 $0x380, v51;
	v56 =	vand.u32 $0x3800, v49;
	[tilespmem:v25+s14+$0x0] =	vst.idx.msk $0x3, v48  }
0xb8: {  	v48 =	vor.u32 v57, v56;
	[tilespmem:v26+s14+$0x0] =	vst.idx.msk $0x3, v50  }
0xb9: {  	v59 =	vor.u32 v30, v48;
	v58 =	vld.idx.msk [tilespmem:v52+s9+$0x0], $0xffff  }
0xba: {  	v60 =	vor.u32 v31, v51;
	_ =	sdelay $0x3  }
0xbb: {  	[tilespmem:v59+s14+$0x0] =	vst.idx.msk $0xffff, v58  }
0xbc: {  	v61 =	vor.u32 v32, v48;
	v49 =	vld.idx.msk [tilespmem:v60+s9+$0x0], $0xffff  }
0xbd: {  	v62 =	vor.u32 v33, v51;
	_ =	sdelay $0x3  }
0xbe: {  	[tilespmem:v61+s14+$0x0] =	vst.idx.msk $0xffff, v49  }
0xbf: {  	v63 =	vor.u32 v34, v48;
	v49 =	vld.idx.msk [tilespmem:v62+s9+$0x0], $0xffff  }
0xc0: {  	v56 =	vor.u32 v35, v51;
	_ =	sdelay $0x3  }
0xc1: {  	[tilespmem:v63+s14+$0x0] =	vst.idx.msk $0xffff, v49  }
0xc2: {  	v57 =	vor.u32 v36, v48;
	v49 =	vld.idx.msk [tilespmem:v56+s9+$0x0], $0xffff  }
0xc3: {  	v58 =	vor.u32 v37, v51;
	_ =	sdelay $0x3  }
0xc4: {  	[tilespmem:v57+s14+$0x0] =	vst.idx.msk $0xffff, v49  }
0xc5: {  	v59 =	vor.u32 v38, v48;
	v49 =	vld.idx.msk [tilespmem:v58+s9+$0x0], $0xffff  }
0xc6: {  	v60 =	vor.u32 v39, v51;
	_ =	sdelay $0x3  }
0xc7: {  	[tilespmem:v59+s14+$0x0] =	vst.idx.msk $0xffff, v49  }
0xc8: {  	v61 =	vor.u32 v40, v48;
	v49 =	vld.idx.msk [tilespmem:v60+s9+$0x0], $0xffff  }
0xc9: {  	v62 =	vor.u32 v41, v51;
	_ =	sdelay $0x3  }
0xca: {  	[tilespmem:v61+s14+$0x0] =	vst.idx.msk $0xffff, v49  }
0xcb: {  	v63 =	vor.u32 v42, v48;
	v49 =	vld.idx.msk [tilespmem:v62+s9+$0x0], $0xffff  }
0xcc: {  	v51 =	vor.u32 v43, v51;
	_ =	sdelay $0x3  }
0xcd: {  	s31 =	simm.s32 $0x1;
	[tilespmem:v63+s14+$0x0] =	vst.idx.msk $0xffff, v49  }
0xce: {  	s18 =	simm.s32 $0x2;
	v50 =	vmov s31;
	v49 =	vld.idx.msk [tilespmem:v51+s9+$0x0], $0xffff  }
.LBB2_3:
0xcf: {  	p0 =	sne.s32 s18, $0x31;
	v51 =	vshll.u32 v50, $0x7;
	v48 =	vor.u32 v0, v48  }
0xd0: {  	v52 =	vor.u32 v29, v51;
	_ =	sdelay $0x2  }
0xd1: {  	v50 =	vshll.u32 v50, $0x8  }
0xd2: {  	v50 =	vand.u32 $0x3800, v50;
	v53 =	vand.u32 $0x380, v51;
	[tilespmem:v48+s14+$0x0] =	vst.idx.msk $0xffff, v49  }
0xd3: {  	v48 =	vor.u32 v53, v50;
	v49 =	vld.idx.msk [tilespmem:v52+s9+$0x0], $0xffff  }
0xd4: {  	v50 =	vor.u32 v30, v48  }
0xd5: {  	v52 =	vor.u32 v31, v51;
	_ =	sdelay $0x3  }
0xd6: {  	[tilespmem:v50+s14+$0x0] =	vst.idx.msk $0xffff, v49  }
0xd7: {  	v49 =	vld.idx.msk [tilespmem:v52+s9+$0x0], $0xffff  }
0xd8: {  	v50 =	vor.u32 v32, v48  }
0xd9: {  	v52 =	vor.u32 v33, v51;
	_ =	sdelay $0x3  }
0xda: {  	[tilespmem:v50+s14+$0x0] =	vst.idx.msk $0xffff, v49  }
0xdb: {  	v49 =	vld.idx.msk [tilespmem:v52+s9+$0x0], $0xffff  }
0xdc: {  	v50 =	vor.u32 v34, v48  }
0xdd: {  	v52 =	vor.u32 v35, v51;
	_ =	sdelay $0x3  }
0xde: {  	[tilespmem:v50+s14+$0x0] =	vst.idx.msk $0xffff, v49  }
0xdf: {  	v49 =	vld.idx.msk [tilespmem:v52+s9+$0x0], $0xffff  }
0xe0: {  	v50 =	vor.u32 v36, v48  }
0xe1: {  	v52 =	vor.u32 v37, v51;
	_ =	sdelay $0x3  }
0xe2: {  	[tilespmem:v50+s14+$0x0] =	vst.idx.msk $0xffff, v49  }
0xe3: {  	v49 =	vld.idx.msk [tilespmem:v52+s9+$0x0], $0xffff  }
0xe4: {  	v50 =	vor.u32 v38, v48  }
0xe5: {  	v52 =	vor.u32 v39, v51;
	_ =	sdelay $0x3  }
0xe6: {  	[tilespmem:v50+s14+$0x0] =	vst.idx.msk $0xffff, v49  }
0xe7: {  	v49 =	vld.idx.msk [tilespmem:v52+s9+$0x0], $0xffff  }
0xe8: {  	v50 =	vor.u32 v40, v48  }
0xe9: {  	v52 =	vor.u32 v41, v51;
	_ =	sdelay $0x3  }
0xea: {  	[tilespmem:v50+s14+$0x0] =	vst.idx.msk $0xffff, v49  }
0xeb: {  	v49 =	vld.idx.msk [tilespmem:v52+s9+$0x0], $0xffff  }
0xec: {  	v50 =	vor.u32 v42, v48  }
0xed: {  	v51 =	vor.u32 v43, v51  }
.Ltmp0:
0xee: {  	(pc) =	sbr.rel @p0 .LBB2_3-.Ltmp0, $3  }
0xef: {  	_ =	sdelay $0x1  }
0xf0: {  	[tilespmem:v50+s14+$0x0] =	vst.idx.msk $0xffff, v49  }
0xf1: {  	v50 =	vmov s18;
	s18 =	sadd.s32 $0x1, s18;
	v49 =	vld.idx.msk [tilespmem:v51+s9+$0x0], $0xffff  }
0xf2: {  	v51 =	vshll.u32 v50, $0x7;
	v48 =	vor.u32 v0, v48  }
0xf3: {  	v52 =	vor.u32 v29, v51;
	_ =	sdelay $0x1  }
0xf4: {  	v59 =	vshll.u32 v50, $0x8  }
0xf5: {  	v50 =	vand.u32 $0x3800, v59;
	v53 =	vand.u32 $0x380, v51  }
0xf6: {  	[tilespmem:v48+s14+$0x0] =	vst.idx.msk $0xffff, v49;
	v48 =	vor.u32 v53, v50  }
0xf7: {  	v49 =	vld.idx.msk [tilespmem:v52+s9+$0x0], $0xffff;
	v50 =	vor.u32 v30, v48  }
0xf8: {  	v60 =	vor.u32 v31, v51;
	_ =	sdelay $0x3  }
0xf9: {  	[tilespmem:v50+s14+$0x0] =	vst.idx.msk $0xffff, v49  }
0xfa: {  	v61 =	vor.u32 v32, v48;
	v49 =	vld.idx.msk [tilespmem:v60+s9+$0x0], $0xffff  }
0xfb: {  	v62 =	vor.u32 v33, v51;
	_ =	sdelay $0x3  }
0xfc: {  	[tilespmem:v61+s14+$0x0] =	vst.idx.msk $0xffff, v49  }
0xfd: {  	v63 =	vor.u32 v34, v48;
	v49 =	vld.idx.msk [tilespmem:v62+s9+$0x0], $0xffff  }
0xfe: {  	v56 =	vor.u32 v35, v51;
	_ =	sdelay $0x3  }
0xff: {  	[tilespmem:v63+s14+$0x0] =	vst.idx.msk $0xffff, v49  }
0x100: {  	v57 =	vor.u32 v36, v48;
	v49 =	vld.idx.msk [tilespmem:v56+s9+$0x0], $0xffff  }
0x101: {  	v58 =	vor.u32 v37, v51;
	_ =	sdelay $0x3  }
0x102: {  	[tilespmem:v57+s14+$0x0] =	vst.idx.msk $0xffff, v49  }
0x103: {  	v59 =	vor.u32 v38, v48;
	v49 =	vld.idx.msk [tilespmem:v58+s9+$0x0], $0xffff  }
0x104: {  	v60 =	vor.u32 v39, v51;
	_ =	sdelay $0x3  }
0x105: {  	[tilespmem:v59+s14+$0x0] =	vst.idx.msk $0xffff, v49  }
0x106: {  	v61 =	vor.u32 v40, v48;
	v49 =	vld.idx.msk [tilespmem:v60+s9+$0x0], $0xffff  }
0x107: {  	v62 =	vor.u32 v41, v51;
	_ =	sdelay $0x3  }
0x108: {  	[tilespmem:v61+s14+$0x0] =	vst.idx.msk $0xffff, v49  }
0x109: {  	v63 =	vor.u32 v42, v48;
	v49 =	vld.idx.msk [tilespmem:v62+s9+$0x0], $0xffff  }
0x10a: {  	v51 =	vor.u32 v43, v51;
	_ =	sdelay $0x3  }
0x10b: {  	[tilespmem:v63+s14+$0x0] =	vst.idx.msk $0xffff, v49  }
0x10c: {  	v48 =	vor.u32 v0, v48;
	v49 =	vld.idx.msk [tilespmem:v51+s9+$0x0], $0xffff;
	_ =	sdelay $0x2  }
0x10d: {  	s18 =	smul.u32 $0x1C00, s17;
	_ =	sdelay $0x1  }
0x10e: {  	s19 =	simm.s32 $0x0;
	s18 =	sadd.s32 s6, s18;
	[tilespmem:v48+s14+$0x0] =	vst.idx.msk $0xffff, v49  }
0x10f: {  	[hbm4b:s18+s19] =	stream.linear.scatter [tilespmem:s14], [sflag:$0x1], $0x3800, $0x38;
	[tilespmem:$0x9E00] =	vst v63  }
0x110: {  	_ =	swait.ge [sflag:s10], $0x3800  }
0x111: {  	[sflag:s10] =	ssyncset.done $0x0  }
0x112: {  	[sflag:s10] =	ssyncadd.s32 $0xFFFFC800  }
0x113: {  	v54 =	vld [tilespmem:$0x30]  }
0x114: {  	v55 =	vld [tilespmem:$0x130];
	_ =	sdelay $0x3  }
0x115: {  	[tilespmem:v7+s14+$0x0] =	vst.idx.msk vm0, v54  }
0x116: {  	[tilespmem:v8+s14+$0x0] =	vst.idx.msk vm0, v55  }
0x117: {  	v48 =	vld [tilespmem:$0x40]  }
0x118: {  	v49 =	vld [tilespmem:$0x140];
	_ =	sdelay $0x3  }
0x119: {  	[tilespmem:v9+s14+$0x0] =	vst.idx.msk $0xffff, v48  }
0x11a: {  	[tilespmem:v10+s14+$0x0] =	vst.idx.msk $0xffff, v49  }
0x11b: {  	v48 =	vld [tilespmem:$0x50]  }
0x11c: {  	v49 =	vld [tilespmem:$0x150];
	_ =	sdelay $0x3  }
0x11d: {  	[tilespmem:v11+s14+$0x0] =	vst.idx.msk $0xffff, v48  }
0x11e: {  	[tilespmem:v12+s14+$0x0] =	vst.idx.msk $0xffff, v49  }
0x11f: {  	v48 =	vld [tilespmem:$0x60]  }
0x120: {  	s31 =	simm.s32 $0x1900;
	v49 =	vld [tilespmem:$0x160]  }
0x121: {  	v56 =	vor.u32 s31, v29  }
0x122: {  	v57 =	vmov s19  }
0x123: {  	v58 =	vshll.u32 v57, $0x8;
	v51 =	vshll.u32 v57, $0x7  }
0x124: {  	v59 =	vand.u32 $0x3800, v58;
	v51 =	vand.u32 $0x380, v51;
	[tilespmem:v27+s14+$0x0] =	vst.idx.msk $0xf, v48  }
0x125: {  	v48 =	vor.u32 v51, v59;
	[tilespmem:v28+s14+$0x0] =	vst.idx.msk $0xf, v49  }
0x126: {  	v60 =	vor.u32 v30, v48;
	v49 =	vld.idx.msk [tilespmem:v56+s9+$0x0], $0xffff  }
0x127: {  	v61 =	vor.u32 s31, v31;
	_ =	sdelay $0x3  }
0x128: {  	[tilespmem:v60+s14+$0x0] =	vst.idx.msk $0xffff, v49  }
0x129: {  	v62 =	vor.u32 v32, v48;
	v49 =	vld.idx.msk [tilespmem:v61+s9+$0x0], $0xffff  }
0x12a: {  	v63 =	vor.u32 s31, v33;
	_ =	sdelay $0x3  }
0x12b: {  	[tilespmem:v62+s14+$0x0] =	vst.idx.msk $0xffff, v49  }
0x12c: {  	v54 =	vor.u32 v34, v48;
	v49 =	vld.idx.msk [tilespmem:v63+s9+$0x0], $0xffff  }
0x12d: {  	v55 =	vor.u32 s31, v35;
	_ =	sdelay $0x3  }
0x12e: {  	[tilespmem:v54+s14+$0x0] =	vst.idx.msk $0xffff, v49  }
0x12f: {  	v56 =	vor.u32 v36, v48;
	v49 =	vld.idx.msk [tilespmem:v55+s9+$0x0], $0xffff  }
0x130: {  	v57 =	vor.u32 s31, v37;
	_ =	sdelay $0x3  }
0x131: {  	[tilespmem:v56+s14+$0x0] =	vst.idx.msk $0xffff, v49  }
0x132: {  	v58 =	vor.u32 v38, v48;
	v49 =	vld.idx.msk [tilespmem:v57+s9+$0x0], $0xffff  }
0x133: {  	v59 =	vor.u32 s31, v39;
	_ =	sdelay $0x3  }
0x134: {  	[tilespmem:v58+s14+$0x0] =	vst.idx.msk $0xffff, v49  }
0x135: {  	v60 =	vor.u32 v40, v48;
	v49 =	vld.idx.msk [tilespmem:v59+s9+$0x0], $0xffff  }
0x136: {  	v61 =	vor.u32 s31, v41;
	_ =	sdelay $0x3  }
0x137: {  	[tilespmem:v60+s14+$0x0] =	vst.idx.msk $0xffff, v49  }
0x138: {  	v62 =	vor.u32 v42, v48;
	v49 =	vld.idx.msk [tilespmem:v61+s9+$0x0], $0xffff  }
0x139: {  	v63 =	vor.u32 s31, v43;
	_ =	sdelay $0x3  }
0x13a: {  	[tilespmem:v62+s14+$0x0] =	vst.idx.msk $0xffff, v49  }
0x13b: {  	s20 =	simm.s32 $0x80;
	s18 =	simm.s32 $0x1;
	s19 =	simm.s32 $0x2;
	v49 =	vld.idx.msk [tilespmem:v63+s9+$0x0], $0xffff  }
.LBB2_5:
0x13c: {  	p0 =	sne.s32 s19, $0x31;
	s20 =	sadd.s32 $0x1900, s20;
	v48 =	vor.u32 v0, v48  }
0x13d: {  	v50 =	vor.u32 s20, v29;
	_ =	sdelay $0x1  }
0x13e: {  	v51 =	vmov s18;
	s18 =	smov.u32 s19  }
0x13f: {  	v52 =	vshll.u32 v51, $0x8;
	v51 =	vshll.u32 v51, $0x7  }
0x140: {  	v52 =	vand.u32 $0x3800, v52;
	v51 =	vand.u32 $0x380, v51;
	[tilespmem:v48+s14+$0x0] =	vst.idx.msk $0xffff, v49  }
0x141: {  	v48 =	vor.u32 v51, v52;
	v49 =	vld.idx.msk [tilespmem:v50+s9+$0x0], $0xffff  }
0x142: {  	v50 =	vor.u32 v30, v48  }
0x143: {  	v51 =	vor.u32 s20, v31;
	_ =	sdelay $0x3  }
0x144: {  	[tilespmem:v50+s14+$0x0] =	vst.idx.msk $0xffff, v49  }
0x145: {  	v49 =	vld.idx.msk [tilespmem:v51+s9+$0x0], $0xffff  }
0x146: {  	v50 =	vor.u32 v32, v48  }
0x147: {  	v51 =	vor.u32 s20, v33;
	_ =	sdelay $0x3  }
0x148: {  	[tilespmem:v50+s14+$0x0] =	vst.idx.msk $0xffff, v49  }
0x149: {  	v49 =	vld.idx.msk [tilespmem:v51+s9+$0x0], $0xffff  }
0x14a: {  	v50 =	vor.u32 v34, v48  }
0x14b: {  	v51 =	vor.u32 s20, v35;
	_ =	sdelay $0x3  }
0x14c: {  	[tilespmem:v50+s14+$0x0] =	vst.idx.msk $0xffff, v49  }
0x14d: {  	v49 =	vld.idx.msk [tilespmem:v51+s9+$0x0], $0xffff  }
0x14e: {  	v50 =	vor.u32 v36, v48  }
0x14f: {  	v51 =	vor.u32 s20, v37;
	_ =	sdelay $0x3  }
0x150: {  	[tilespmem:v50+s14+$0x0] =	vst.idx.msk $0xffff, v49  }
0x151: {  	v49 =	vld.idx.msk [tilespmem:v51+s9+$0x0], $0xffff  }
0x152: {  	v50 =	vor.u32 v38, v48  }
0x153: {  	v51 =	vor.u32 s20, v39;
	_ =	sdelay $0x3  }
0x154: {  	[tilespmem:v50+s14+$0x0] =	vst.idx.msk $0xffff, v49  }
0x155: {  	v49 =	vld.idx.msk [tilespmem:v51+s9+$0x0], $0xffff  }
0x156: {  	v50 =	vor.u32 v40, v48  }
0x157: {  	v51 =	vor.u32 s20, v41;
	_ =	sdelay $0x3  }
0x158: {  	[tilespmem:v50+s14+$0x0] =	vst.idx.msk $0xffff, v49  }
0x159: {  	v49 =	vld.idx.msk [tilespmem:v51+s9+$0x0], $0xffff  }
0x15a: {  	v50 =	vor.u32 v42, v48  }
0x15b: {  	v51 =	vor.u32 s20, v43  }
.Ltmp1:
0x15c: {  	(pc) =	sbr.rel @p0 .LBB2_5-.Ltmp1, $3  }
0x15d: {  	_ =	sdelay $0x1  }
0x15e: {  	[tilespmem:v50+s14+$0x0] =	vst.idx.msk $0xffff, v49  }
0x15f: {  	s19 =	sadd.s32 $0x1, s19;
	s20 =	sshll.u32 s18, $0x7;
	v49 =	vld.idx.msk [tilespmem:v51+s9+$0x0], $0xffff  }
0x160: {  	s19 =	sadd.s32 $0x1900, s20;
	v48 =	vor.u32 v0, v48  }
0x161: {  	v50 =	vor.u32 s19, v29  }
0x162: {  	v51 =	vmov s18  }
0x163: {  	v52 =	vshll.u32 v51, $0x8;
	v51 =	vshll.u32 v51, $0x7  }
0x164: {  	v52 =	vand.u32 $0x3800, v52;
	v51 =	vand.u32 $0x380, v51  }
0x165: {  	[tilespmem:v48+s14+$0x0] =	vst.idx.msk $0xffff, v49;
	v48 =	vor.u32 v51, v52  }
0x166: {  	v49 =	vld.idx.msk [tilespmem:v50+s9+$0x0], $0xffff;
	v60 =	vor.u32 v30, v48  }
0x167: {  	v61 =	vor.u32 s19, v31;
	_ =	sdelay $0x3  }
0x168: {  	[tilespmem:v60+s14+$0x0] =	vst.idx.msk $0xffff, v49  }
0x169: {  	v62 =	vor.u32 v32, v48;
	v49 =	vld.idx.msk [tilespmem:v61+s9+$0x0], $0xffff  }
0x16a: {  	v63 =	vor.u32 s19, v33;
	_ =	sdelay $0x3  }
0x16b: {  	[tilespmem:v62+s14+$0x0] =	vst.idx.msk $0xffff, v49  }
0x16c: {  	v54 =	vor.u32 v34, v48;
	v49 =	vld.idx.msk [tilespmem:v63+s9+$0x0], $0xffff  }
0x16d: {  	v55 =	vor.u32 s19, v35;
	_ =	sdelay $0x3  }
0x16e: {  	[tilespmem:v54+s14+$0x0] =	vst.idx.msk $0xffff, v49  }
0x16f: {  	v56 =	vor.u32 v36, v48;
	v49 =	vld.idx.msk [tilespmem:v55+s9+$0x0], $0xffff  }
0x170: {  	v57 =	vor.u32 s19, v37;
	_ =	sdelay $0x3  }
0x171: {  	[tilespmem:v56+s14+$0x0] =	vst.idx.msk $0xffff, v49  }
0x172: {  	v58 =	vor.u32 v38, v48;
	v49 =	vld.idx.msk [tilespmem:v57+s9+$0x0], $0xffff  }
0x173: {  	v59 =	vor.u32 s19, v39;
	_ =	sdelay $0x3  }
0x174: {  	[tilespmem:v58+s14+$0x0] =	vst.idx.msk $0xffff, v49  }
0x175: {  	v60 =	vor.u32 v40, v48;
	v49 =	vld.idx.msk [tilespmem:v59+s9+$0x0], $0xffff  }
0x176: {  	v61 =	vor.u32 s19, v41;
	_ =	sdelay $0x3  }
0x177: {  	[tilespmem:v60+s14+$0x0] =	vst.idx.msk $0xffff, v49  }
0x178: {  	v62 =	vor.u32 v42, v48;
	v49 =	vld.idx.msk [tilespmem:v61+s9+$0x0], $0xffff  }
0x179: {  	v63 =	vor.u32 s19, v43;
	_ =	sdelay $0x3  }
0x17a: {  	[tilespmem:v62+s14+$0x0] =	vst.idx.msk $0xffff, v49  }
0x17b: {  	v48 =	vor.u32 v0, v48;
	v49 =	vld.idx.msk [tilespmem:v63+s9+$0x0], $0xffff  }
0x17c: {  	s17 =	smul.u32 $0xE000, s17;
	_ =	sdelay $0x1  }
0x17d: {  	s17 =	sshrl.u32 s17, $0x3  }
0x17e: {  	s17 =	sadd.s32 s6, s17  }
0x17f: {  	s30 =	simm.s32 $0x0;
	s29 =	sadd.s32 $0x700, s17;
	[tilespmem:v48+s14+$0x0] =	vst.idx.msk $0xffff, v49  }
0x180: {  	[hbm4b:s29+s30] =	stream.linear.scatter [tilespmem:s14], [sflag:$0x1], $0x3800, $0x38;
	[tilespmem:$0x9E00] =	vst v63  }
0x181: {  	_ =	swait.ge [sflag:s10], $0x3800  }
0x182: {  	[sflag:s10] =	ssyncset.done $0x0  }
0x183: {  	[sflag:s10] =	ssyncadd.s32 $0xFFFFC800  }
0x184: {  	v54 =	vld [tilespmem:$0x60]  }
0x185: {  	v55 =	vld [tilespmem:$0x160];
	_ =	sdelay $0x3  }
0x186: {  	[tilespmem:v13+s14+$0x0] =	vst.idx.msk vm1, v54  }
0x187: {  	[tilespmem:v14+s14+$0x0] =	vst.idx.msk vm1, v55  }
0x188: {  	v48 =	vld [tilespmem:$0x70]  }
0x189: {  	v49 =	vld [tilespmem:$0x170];
	_ =	sdelay $0x3  }
0x18a: {  	[tilespmem:v15+s14+$0x0] =	vst.idx.msk $0xffff, v48  }
0x18b: {  	[tilespmem:v16+s14+$0x0] =	vst.idx.msk $0xffff, v49  }
0x18c: {  	v48 =	vld [tilespmem:$0x80]  }
0x18d: {  	v49 =	vld [tilespmem:$0x180];
	_ =	sdelay $0x3  }
0x18e: {  	[tilespmem:v17+s14+$0x0] =	vst.idx.msk $0xffff, v48  }
0x18f: {  	[tilespmem:v18+s14+$0x0] =	vst.idx.msk $0xffff, v49  }
0x190: {  	v48 =	vld [tilespmem:$0x90]  }
0x191: {  	s31 =	simm.s32 $0x3200;
	v49 =	vld [tilespmem:$0x190]  }
0x192: {  	v56 =	vor.u32 s31, v29  }
0x193: {  	v57 =	vmov s30  }
0x194: {  	v51 =	vshll.u32 v57, $0x7;
	v58 =	vshll.u32 v57, $0x8  }
0x195: {  	v51 =	vand.u32 $0x380, v51;
	v59 =	vand.u32 $0x3800, v58;
	[tilespmem:v44+s14+$0x0] =	vst.idx.msk $0x3f, v48  }
0x196: {  	v48 =	vor.u32 v51, v59;
	[tilespmem:v45+s14+$0x0] =	vst.idx.msk $0x3f, v49  }
0x197: {  	v60 =	vor.u32 v30, v48;
	v49 =	vld.idx.msk [tilespmem:v56+s9+$0x0], $0xffff  }
0x198: {  	v61 =	vor.u32 s31, v31;
	_ =	sdelay $0x3  }
0x199: {  	[tilespmem:v60+s14+$0x0] =	vst.idx.msk $0xffff, v49  }
0x19a: {  	v62 =	vor.u32 v32, v48;
	v49 =	vld.idx.msk [tilespmem:v61+s9+$0x0], $0xffff  }
0x19b: {  	v63 =	vor.u32 s31, v33;
	_ =	sdelay $0x3  }
0x19c: {  	[tilespmem:v62+s14+$0x0] =	vst.idx.msk $0xffff, v49  }
0x19d: {  	v54 =	vor.u32 v34, v48;
	v49 =	vld.idx.msk [tilespmem:v63+s9+$0x0], $0xffff  }
0x19e: {  	v55 =	vor.u32 s31, v35;
	_ =	sdelay $0x3  }
0x19f: {  	[tilespmem:v54+s14+$0x0] =	vst.idx.msk $0xffff, v49  }
0x1a0: {  	v56 =	vor.u32 v36, v48;
	v49 =	vld.idx.msk [tilespmem:v55+s9+$0x0], $0xffff  }
0x1a1: {  	v57 =	vor.u32 s31, v37;
	_ =	sdelay $0x3  }
0x1a2: {  	[tilespmem:v56+s14+$0x0] =	vst.idx.msk $0xffff, v49  }
0x1a3: {  	v58 =	vor.u32 v38, v48;
	v49 =	vld.idx.msk [tilespmem:v57+s9+$0x0], $0xffff  }
0x1a4: {  	v59 =	vor.u32 s31, v39;
	_ =	sdelay $0x3  }
0x1a5: {  	[tilespmem:v58+s14+$0x0] =	vst.idx.msk $0xffff, v49  }
0x1a6: {  	v60 =	vor.u32 v40, v48;
	v49 =	vld.idx.msk [tilespmem:v59+s9+$0x0], $0xffff  }
0x1a7: {  	v61 =	vor.u32 s31, v41;
	_ =	sdelay $0x3  }
0x1a8: {  	[tilespmem:v60+s14+$0x0] =	vst.idx.msk $0xffff, v49  }
0x1a9: {  	v62 =	vor.u32 v42, v48;
	v49 =	vld.idx.msk [tilespmem:v61+s9+$0x0], $0xffff  }
0x1aa: {  	v63 =	vor.u32 s31, v43;
	_ =	sdelay $0x3  }
0x1ab: {  	[tilespmem:v62+s14+$0x0] =	vst.idx.msk $0xffff, v49  }
0x1ac: {  	s18 =	simm.s32 $0x1;
	s20 =	simm.s32 $0x80;
	s19 =	simm.s32 $0x2;
	v49 =	vld.idx.msk [tilespmem:v63+s9+$0x0], $0xffff  }
.LBB2_7:
0x1ad: {  	p0 =	sne.s32 s19, $0x31;
	s20 =	sadd.s32 $0x3200, s20;
	v48 =	vor.u32 v0, v48  }
0x1ae: {  	v50 =	vor.u32 s20, v29;
	_ =	sdelay $0x1  }
0x1af: {  	v51 =	vmov s18;
	s18 =	smov.u32 s19  }
0x1b0: {  	v52 =	vshll.u32 v51, $0x8;
	v51 =	vshll.u32 v51, $0x7  }
0x1b1: {  	v52 =	vand.u32 $0x3800, v52;
	v51 =	vand.u32 $0x380, v51;
	[tilespmem:v48+s14+$0x0] =	vst.idx.msk $0xffff, v49  }
0x1b2: {  	v48 =	vor.u32 v51, v52;
	v49 =	vld.idx.msk [tilespmem:v50+s9+$0x0], $0xffff  }
0x1b3: {  	v50 =	vor.u32 v30, v48  }
0x1b4: {  	v51 =	vor.u32 s20, v31;
	_ =	sdelay $0x3  }
0x1b5: {  	[tilespmem:v50+s14+$0x0] =	vst.idx.msk $0xffff, v49  }
0x1b6: {  	v49 =	vld.idx.msk [tilespmem:v51+s9+$0x0], $0xffff  }
0x1b7: {  	v50 =	vor.u32 v32, v48  }
0x1b8: {  	v51 =	vor.u32 s20, v33;
	_ =	sdelay $0x3  }
0x1b9: {  	[tilespmem:v50+s14+$0x0] =	vst.idx.msk $0xffff, v49  }
0x1ba: {  	v49 =	vld.idx.msk [tilespmem:v51+s9+$0x0], $0xffff  }
0x1bb: {  	v50 =	vor.u32 v34, v48  }
0x1bc: {  	v51 =	vor.u32 s20, v35;
	_ =	sdelay $0x3  }
0x1bd: {  	[tilespmem:v50+s14+$0x0] =	vst.idx.msk $0xffff, v49  }
0x1be: {  	v49 =	vld.idx.msk [tilespmem:v51+s9+$0x0], $0xffff  }
0x1bf: {  	v50 =	vor.u32 v36, v48  }
0x1c0: {  	v51 =	vor.u32 s20, v37;
	_ =	sdelay $0x3  }
0x1c1: {  	[tilespmem:v50+s14+$0x0] =	vst.idx.msk $0xffff, v49  }
0x1c2: {  	v49 =	vld.idx.msk [tilespmem:v51+s9+$0x0], $0xffff  }
0x1c3: {  	v50 =	vor.u32 v38, v48  }
0x1c4: {  	v51 =	vor.u32 s20, v39;
	_ =	sdelay $0x3  }
0x1c5: {  	[tilespmem:v50+s14+$0x0] =	vst.idx.msk $0xffff, v49  }
0x1c6: {  	v49 =	vld.idx.msk [tilespmem:v51+s9+$0x0], $0xffff  }
0x1c7: {  	v50 =	vor.u32 v40, v48  }
0x1c8: {  	v51 =	vor.u32 s20, v41;
	_ =	sdelay $0x3  }
0x1c9: {  	[tilespmem:v50+s14+$0x0] =	vst.idx.msk $0xffff, v49  }
0x1ca: {  	v49 =	vld.idx.msk [tilespmem:v51+s9+$0x0], $0xffff  }
0x1cb: {  	v50 =	vor.u32 v42, v48  }
0x1cc: {  	v51 =	vor.u32 s20, v43  }
.Ltmp2:
0x1cd: {  	(pc) =	sbr.rel @p0 .LBB2_7-.Ltmp2, $3  }
0x1ce: {  	_ =	sdelay $0x1  }
0x1cf: {  	[tilespmem:v50+s14+$0x0] =	vst.idx.msk $0xffff, v49  }
0x1d0: {  	s19 =	sadd.s32 $0x1, s19;
	s20 =	sshll.u32 s18, $0x7;
	v49 =	vld.idx.msk [tilespmem:v51+s9+$0x0], $0xffff  }
0x1d1: {  	s19 =	sadd.s32 $0x3200, s20;
	v48 =	vor.u32 v0, v48  }
0x1d2: {  	v50 =	vor.u32 s19, v29  }
0x1d3: {  	v51 =	vmov s18  }
0x1d4: {  	v52 =	vshll.u32 v51, $0x8;
	v51 =	vshll.u32 v51, $0x7  }
0x1d5: {  	v52 =	vand.u32 $0x3800, v52;
	v51 =	vand.u32 $0x380, v51  }
0x1d6: {  	[tilespmem:v48+s14+$0x0] =	vst.idx.msk $0xffff, v49;
	v48 =	vor.u32 v51, v52  }
0x1d7: {  	v49 =	vld.idx.msk [tilespmem:v50+s9+$0x0], $0xffff;
	v60 =	vor.u32 v30, v48  }
0x1d8: {  	v61 =	vor.u32 s19, v31;
	_ =	sdelay $0x3  }
0x1d9: {  	[tilespmem:v60+s14+$0x0] =	vst.idx.msk $0xffff, v49  }
0x1da: {  	v62 =	vor.u32 v32, v48;
	v49 =	vld.idx.msk [tilespmem:v61+s9+$0x0], $0xffff  }
0x1db: {  	v63 =	vor.u32 s19, v33;
	_ =	sdelay $0x3  }
0x1dc: {  	[tilespmem:v62+s14+$0x0] =	vst.idx.msk $0xffff, v49  }
0x1dd: {  	v54 =	vor.u32 v34, v48;
	v49 =	vld.idx.msk [tilespmem:v63+s9+$0x0], $0xffff  }
0x1de: {  	v55 =	vor.u32 s19, v35;
	_ =	sdelay $0x3  }
0x1df: {  	[tilespmem:v54+s14+$0x0] =	vst.idx.msk $0xffff, v49  }
0x1e0: {  	v56 =	vor.u32 v36, v48;
	v49 =	vld.idx.msk [tilespmem:v55+s9+$0x0], $0xffff  }
0x1e1: {  	v57 =	vor.u32 s19, v37;
	_ =	sdelay $0x3  }
0x1e2: {  	[tilespmem:v56+s14+$0x0] =	vst.idx.msk $0xffff, v49  }
0x1e3: {  	v58 =	vor.u32 v38, v48;
	v49 =	vld.idx.msk [tilespmem:v57+s9+$0x0], $0xffff  }
0x1e4: {  	v59 =	vor.u32 s19, v39;
	_ =	sdelay $0x3  }
0x1e5: {  	[tilespmem:v58+s14+$0x0] =	vst.idx.msk $0xffff, v49  }
0x1e6: {  	v60 =	vor.u32 v40, v48;
	v49 =	vld.idx.msk [tilespmem:v59+s9+$0x0], $0xffff  }
0x1e7: {  	v61 =	vor.u32 s19, v41;
	_ =	sdelay $0x3  }
0x1e8: {  	[tilespmem:v60+s14+$0x0] =	vst.idx.msk $0xffff, v49  }
0x1e9: {  	v62 =	vor.u32 v42, v48;
	v49 =	vld.idx.msk [tilespmem:v61+s9+$0x0], $0xffff  }
0x1ea: {  	v63 =	vor.u32 s19, v43;
	_ =	sdelay $0x3  }
0x1eb: {  	[tilespmem:v62+s14+$0x0] =	vst.idx.msk $0xffff, v49  }
0x1ec: {  	v48 =	vor.u32 v0, v48;
	v49 =	vld.idx.msk [tilespmem:v63+s9+$0x0], $0xffff;
	_ =	sdelay $0x4  }
0x1ed: {  	s29 =	sadd.s32 $0xE00, s17;
	s30 =	simm.s32 $0x0;
	[tilespmem:v48+s14+$0x0] =	vst.idx.msk $0xffff, v49  }
0x1ee: {  	[hbm4b:s29+s30] =	stream.linear.scatter [tilespmem:s14], [sflag:$0x1], $0x3800, $0x38;
	[tilespmem:$0x9E00] =	vst v63  }
0x1ef: {  	_ =	swait.ge [sflag:s10], $0x3800  }
0x1f0: {  	[sflag:s10] =	ssyncset.done $0x0  }
0x1f1: {  	[sflag:s10] =	ssyncadd.s32 $0xFFFFC800  }
0x1f2: {  	v54 =	vld [tilespmem:$0x90]  }
0x1f3: {  	v55 =	vld [tilespmem:$0x190];
	_ =	sdelay $0x3  }
0x1f4: {  	[tilespmem:v19+s14+$0x0] =	vst.idx.msk vm2, v54  }
0x1f5: {  	[tilespmem:v20+s14+$0x0] =	vst.idx.msk vm2, v55  }
0x1f6: {  	v48 =	vld [tilespmem:$0xA0]  }
0x1f7: {  	v49 =	vld [tilespmem:$0x1A0];
	_ =	sdelay $0x3  }
0x1f8: {  	[tilespmem:v21+s14+$0x0] =	vst.idx.msk $0xffff, v48  }
0x1f9: {  	[tilespmem:v22+s14+$0x0] =	vst.idx.msk $0xffff, v49  }
0x1fa: {  	v48 =	vld [tilespmem:$0xB0]  }
0x1fb: {  	v49 =	vld [tilespmem:$0x1B0];
	_ =	sdelay $0x3  }
0x1fc: {  	[tilespmem:v23+s14+$0x0] =	vst.idx.msk $0xffff, v48  }
0x1fd: {  	[tilespmem:v24+s14+$0x0] =	vst.idx.msk $0xffff, v49  }
0x1fe: {  	v48 =	vld [tilespmem:$0xC0]  }
0x1ff: {  	s31 =	simm.s32 $0x4B00;
	v49 =	vld [tilespmem:$0x1C0]  }
0x200: {  	v56 =	vor.u32 s31, v29  }
0x201: {  	v57 =	vmov s30  }
0x202: {  	v51 =	vshll.u32 v57, $0x7;
	v58 =	vshll.u32 v57, $0x8  }
0x203: {  	v51 =	vand.u32 $0x380, v51;
	v59 =	vand.u32 $0x3800, v58;
	[tilespmem:v46+s14+$0x0] =	vst.idx.msk $0xff, v48  }
0x204: {  	v48 =	vor.u32 v51, v59;
	[tilespmem:v47+s14+$0x0] =	vst.idx.msk $0xff, v49  }
0x205: {  	v60 =	vor.u32 v30, v48;
	v49 =	vld.idx.msk [tilespmem:v56+s9+$0x0], $0xffff  }
0x206: {  	v61 =	vor.u32 s31, v31;
	_ =	sdelay $0x3  }
0x207: {  	[tilespmem:v60+s14+$0x0] =	vst.idx.msk $0xffff, v49  }
0x208: {  	v62 =	vor.u32 v32, v48;
	v49 =	vld.idx.msk [tilespmem:v61+s9+$0x0], $0xffff  }
0x209: {  	v63 =	vor.u32 s31, v33;
	_ =	sdelay $0x3  }
0x20a: {  	[tilespmem:v62+s14+$0x0] =	vst.idx.msk $0xffff, v49  }
0x20b: {  	v54 =	vor.u32 v34, v48;
	v49 =	vld.idx.msk [tilespmem:v63+s9+$0x0], $0xffff  }
0x20c: {  	v55 =	vor.u32 s31, v35;
	_ =	sdelay $0x3  }
0x20d: {  	[tilespmem:v54+s14+$0x0] =	vst.idx.msk $0xffff, v49  }
0x20e: {  	v56 =	vor.u32 v36, v48;
	v49 =	vld.idx.msk [tilespmem:v55+s9+$0x0], $0xffff  }
0x20f: {  	v57 =	vor.u32 s31, v37;
	_ =	sdelay $0x3  }
0x210: {  	[tilespmem:v56+s14+$0x0] =	vst.idx.msk $0xffff, v49  }
0x211: {  	v58 =	vor.u32 v38, v48;
	v49 =	vld.idx.msk [tilespmem:v57+s9+$0x0], $0xffff  }
0x212: {  	v59 =	vor.u32 s31, v39;
	_ =	sdelay $0x3  }
0x213: {  	[tilespmem:v58+s14+$0x0] =	vst.idx.msk $0xffff, v49  }
0x214: {  	v60 =	vor.u32 v40, v48;
	v49 =	vld.idx.msk [tilespmem:v59+s9+$0x0], $0xffff  }
0x215: {  	v61 =	vor.u32 s31, v41;
	_ =	sdelay $0x3  }
0x216: {  	[tilespmem:v60+s14+$0x0] =	vst.idx.msk $0xffff, v49  }
0x217: {  	v62 =	vor.u32 v42, v48;
	v49 =	vld.idx.msk [tilespmem:v61+s9+$0x0], $0xffff  }
0x218: {  	v63 =	vor.u32 s31, v43;
	_ =	sdelay $0x3  }
0x219: {  	[tilespmem:v62+s14+$0x0] =	vst.idx.msk $0xffff, v49  }
0x21a: {  	s18 =	simm.s32 $0x1;
	s20 =	simm.s32 $0x80;
	s19 =	simm.s32 $0x2;
	v49 =	vld.idx.msk [tilespmem:v63+s9+$0x0], $0xffff  }
.LBB2_9:
0x21b: {  	p0 =	sne.s32 s19, $0x31;
	s20 =	sadd.s32 $0x4B00, s20;
	v48 =	vor.u32 v0, v48  }
0x21c: {  	v50 =	vor.u32 s20, v29;
	_ =	sdelay $0x1  }
0x21d: {  	v51 =	vmov s18;
	s18 =	smov.u32 s19  }
0x21e: {  	v52 =	vshll.u32 v51, $0x8;
	v51 =	vshll.u32 v51, $0x7  }
0x21f: {  	v52 =	vand.u32 $0x3800, v52;
	v51 =	vand.u32 $0x380, v51;
	[tilespmem:v48+s14+$0x0] =	vst.idx.msk $0xffff, v49  }
0x220: {  	v48 =	vor.u32 v51, v52;
	v49 =	vld.idx.msk [tilespmem:v50+s9+$0x0], $0xffff  }
0x221: {  	v50 =	vor.u32 v30, v48  }
0x222: {  	v51 =	vor.u32 s20, v31;
	_ =	sdelay $0x3  }
0x223: {  	[tilespmem:v50+s14+$0x0] =	vst.idx.msk $0xffff, v49  }
0x224: {  	v49 =	vld.idx.msk [tilespmem:v51+s9+$0x0], $0xffff  }
0x225: {  	v50 =	vor.u32 v32, v48  }
0x226: {  	v51 =	vor.u32 s20, v33;
	_ =	sdelay $0x3  }
0x227: {  	[tilespmem:v50+s14+$0x0] =	vst.idx.msk $0xffff, v49  }
0x228: {  	v49 =	vld.idx.msk [tilespmem:v51+s9+$0x0], $0xffff  }
0x229: {  	v50 =	vor.u32 v34, v48  }
0x22a: {  	v51 =	vor.u32 s20, v35;
	_ =	sdelay $0x3  }
0x22b: {  	[tilespmem:v50+s14+$0x0] =	vst.idx.msk $0xffff, v49  }
0x22c: {  	v49 =	vld.idx.msk [tilespmem:v51+s9+$0x0], $0xffff  }
0x22d: {  	v50 =	vor.u32 v36, v48  }
0x22e: {  	v51 =	vor.u32 s20, v37;
	_ =	sdelay $0x3  }
0x22f: {  	[tilespmem:v50+s14+$0x0] =	vst.idx.msk $0xffff, v49  }
0x230: {  	v49 =	vld.idx.msk [tilespmem:v51+s9+$0x0], $0xffff  }
0x231: {  	v50 =	vor.u32 v38, v48  }
0x232: {  	v51 =	vor.u32 s20, v39;
	_ =	sdelay $0x3  }
0x233: {  	[tilespmem:v50+s14+$0x0] =	vst.idx.msk $0xffff, v49  }
0x234: {  	v49 =	vld.idx.msk [tilespmem:v51+s9+$0x0], $0xffff  }
0x235: {  	v50 =	vor.u32 v40, v48  }
0x236: {  	v51 =	vor.u32 s20, v41;
	_ =	sdelay $0x3  }
0x237: {  	[tilespmem:v50+s14+$0x0] =	vst.idx.msk $0xffff, v49  }
0x238: {  	v49 =	vld.idx.msk [tilespmem:v51+s9+$0x0], $0xffff  }
0x239: {  	v50 =	vor.u32 v42, v48  }
0x23a: {  	v51 =	vor.u32 s20, v43  }
.Ltmp3:
0x23b: {  	(pc) =	sbr.rel @p0 .LBB2_9-.Ltmp3, $3  }
0x23c: {  	_ =	sdelay $0x1  }
0x23d: {  	[tilespmem:v50+s14+$0x0] =	vst.idx.msk $0xffff, v49  }
0x23e: {  	s19 =	sadd.s32 $0x1, s19;
	s20 =	sshll.u32 s18, $0x7;
	v49 =	vld.idx.msk [tilespmem:v51+s9+$0x0], $0xffff  }
0x23f: {  	s19 =	sadd.s32 $0x4B00, s20;
	v48 =	vor.u32 v0, v48  }
0x240: {  	v50 =	vor.u32 s19, v29  }
0x241: {  	v51 =	vmov s18  }
0x242: {  	v52 =	vshll.u32 v51, $0x8;
	v51 =	vshll.u32 v51, $0x7  }
0x243: {  	v52 =	vand.u32 $0x3800, v52;
	v51 =	vand.u32 $0x380, v51  }
0x244: {  	[tilespmem:v48+s14+$0x0] =	vst.idx.msk $0xffff, v49;
	v48 =	vor.u32 v51, v52  }
0x245: {  	v49 =	vld.idx.msk [tilespmem:v50+s9+$0x0], $0xffff;
	v60 =	vor.u32 v30, v48  }
0x246: {  	v61 =	vor.u32 s19, v31;
	_ =	sdelay $0x3  }
0x247: {  	[tilespmem:v60+s14+$0x0] =	vst.idx.msk $0xffff, v49  }
0x248: {  	v62 =	vor.u32 v32, v48;
	v49 =	vld.idx.msk [tilespmem:v61+s9+$0x0], $0xffff  }
0x249: {  	v63 =	vor.u32 s19, v33;
	_ =	sdelay $0x3  }
0x24a: {  	[tilespmem:v62+s14+$0x0] =	vst.idx.msk $0xffff, v49  }
0x24b: {  	v54 =	vor.u32 v34, v48;
	v49 =	vld.idx.msk [tilespmem:v63+s9+$0x0], $0xffff  }
0x24c: {  	v55 =	vor.u32 s19, v35;
	_ =	sdelay $0x3  }
0x24d: {  	[tilespmem:v54+s14+$0x0] =	vst.idx.msk $0xffff, v49  }
0x24e: {  	v56 =	vor.u32 v36, v48;
	v49 =	vld.idx.msk [tilespmem:v55+s9+$0x0], $0xffff  }
0x24f: {  	v57 =	vor.u32 s19, v37;
	_ =	sdelay $0x3  }
0x250: {  	[tilespmem:v56+s14+$0x0] =	vst.idx.msk $0xffff, v49  }
0x251: {  	v58 =	vor.u32 v38, v48;
	v49 =	vld.idx.msk [tilespmem:v57+s9+$0x0], $0xffff  }
0x252: {  	v59 =	vor.u32 s19, v39;
	_ =	sdelay $0x3  }
0x253: {  	[tilespmem:v58+s14+$0x0] =	vst.idx.msk $0xffff, v49  }
0x254: {  	v60 =	vor.u32 v40, v48;
	v49 =	vld.idx.msk [tilespmem:v59+s9+$0x0], $0xffff  }
0x255: {  	v61 =	vor.u32 s19, v41;
	_ =	sdelay $0x3  }
0x256: {  	[tilespmem:v60+s14+$0x0] =	vst.idx.msk $0xffff, v49  }
0x257: {  	v62 =	vor.u32 v42, v48;
	v49 =	vld.idx.msk [tilespmem:v61+s9+$0x0], $0xffff  }
0x258: {  	v63 =	vor.u32 s19, v43;
	_ =	sdelay $0x3  }
0x259: {  	[tilespmem:v62+s14+$0x0] =	vst.idx.msk $0xffff, v49  }
0x25a: {  	v48 =	vor.u32 v0, v48;
	v49 =	vld.idx.msk [tilespmem:v63+s9+$0x0], $0xffff;
	_ =	sdelay $0x2  }
0x25b: {  	s16 =	sadd.s32 $0x1, s16  }
0x25c: {  	p0 =	sne.s32 s16, $0x20  }
.Ltmp4:
0x25d: {  	s17 =	sadd.s32 $0x1500, s17;
	[tilespmem:v48+s14+$0x0] =	vst.idx.msk $0xffff, v49;
	(pc) =	sbr.rel @p0 .LBB2_2-.Ltmp4, $4  }
0x25e: {  	[hbm4b:s17+s2] =	stream.linear.scatter [tilespmem:s14], [sflag:$0x1], $0x3800, $0x38;
	[tilespmem:$0x9E00] =	vst v63  }
0x25f: {  	_ =	swait.ge [sflag:s10], $0x3800  }
0x260: {  	[sflag:s10] =	ssyncset.done $0x0  }
0x261: {  	[sflag:s10] =	ssyncadd.s32 $0xFFFFC800  }
0x262: {  	s15 =	sadd.s32 $0x1, s15  }
0x263: {  	p0 =	sne.s32 s15, s8  }
.Ltmp5:
0x264: {  	_ = 	snop;
	(pc) =	sbr.rel @p0 .LBB2_1-.Ltmp5, $1  }
0x265: {  	_ =	sdelay $0x3  }
0x266: {  	_ =	sfence.sel $0x180000  }
0x267: {  	[bflag:$0x0] =	sbarrier.arrive $0xFFFF  }
0x268: {  	p0 =	sne.s32 s5, $0x0;
	_ =	strace $0x9000004A  }
0x269: {  	s0 =	sadd.s32 @!p0 $0x100000, s1;
	[bflag:$0x2] =	sbarrier.arrive $0xFFFF  }
0x26a: {  	[sflag:s0] =	ssyncadd.tile.s32 @!p0 $0x1;
	_ =	shalt  }
.Lfunc_end2:
_tile_overlayer_lowered:
.L_overlay_start_2:
0x26b: {  	(tag) =	ssettag $0x2  }
0x26c: {  	s0 =	rddreg [dreg:$0x0];
	s2 =	stileid.u32  }
0x26d: {  	s1 =	rddreg [dreg:$0x1];
	p0 =	sne.s32 s2, $0x0  }
0x26e: {  	s3 =	rddreg [dreg:$0x2];
	[bflag:$0x3] =	sbarrier.arrive $0xFFFF;
	s2 =	simm.s32 @!p0 $0x1C01  }
0x26f: {  	[timem:s3], [sflag:s2] =	dma.local @!p0 [hbm:s0], s1  }
0x270: {  	s0 =	simm.s32 @!p0 $0x1  }
0x271: {  	_ =	swait.ge @!p0 [sflag:s0], s1  }
0x272: {  	s1 =	ssub.s32 @!p0 $0x0, s1;
	[sflag:s0] =	ssyncset.done @!p0 $0x0  }
0x273: {  	[sflag:s0] =	ssyncadd.s32 @!p0 s1  }
0x274: {  	[bflag:$0x3] =	sbarrier.arrive $0xFFFF  }
0x275: {  	_ =	shalt  }

</sc_bundles>
